<compile_context>
chip_gen: v7x
topology: tpu7x:2x2x1
jax: 0.10.2.dev20260603
libtpu: 0.0.44.dev20260713+nightly
codegen_flags: <defaults>
</compile_context>

<pallas_src>
import functools

import jax
import jax.numpy as jnp
from jax import lax
from jax.experimental import pallas as pl
from jax.experimental.pallas import tpu as pltpu
from jax.experimental.pallas import tpu_sc as plsc

N = 10000
E = 320000
D = 128
NC, NS = 2, 16
NW = NC * NS
CSZ = 128
CHUNKS = 2 * -(-(-(-E // NW)) // (2 * CSZ))
EPAD = NW * CHUNKS * CSZ
HCH = CHUNKS // 2
NROW = 10240
RPS = NROW // NS
CW = 8

def _sc_agg_counts_body(y_hbm, src_hbm, dst_hbm, z_hbm, zc_hbm, ones_hbm,
                        p_hbm, cnt_hbm,
                        src_v, dst_v, rows0_v, rows1_v, ones_v, acc_sh, cnt_sh,
                        gsem0, gsem1, ssem0, ssem1, csem0, csem1):
    rows = (rows0_v, rows1_v)
    gsem = (gsem0, gsem1)
    ssem = (ssem0, ssem1)
    csem = (csem0, csem1)
    c = lax.axis_index("c")
    s = lax.axis_index("s")
    w = s * NC + c
    pltpu.sync_copy(z_hbm.at[pl.ds(s * RPS, RPS)],
                    acc_sh.at[pl.ds(s * RPS, RPS)])
    pltpu.sync_copy(zc_hbm.at[pl.ds(s * RPS, RPS)],
                    cnt_sh.at[pl.ds(s * RPS, RPS)])
    pltpu.sync_copy(ones_hbm, ones_v)
    plsc.subcore_barrier()
    for h in (0, 1):
        pltpu.sync_copy(src_hbm.at[w].at[pl.ds(h * HCH, HCH)], src_v)
        pltpu.sync_copy(dst_hbm.at[w].at[pl.ds(h * HCH, HCH)], dst_v)
        pltpu.async_copy(y_hbm.at[src_v.at[0]], rows[0], gsem[0])
        pltpu.async_copy(y_hbm.at[src_v.at[1]], rows[1], gsem[1])

        def step(i, carry):
            for b in (0, 1):
                j = 2 * i + b
                pltpu.make_async_copy(y_hbm.at[src_v.at[0]], rows[b],
                                      gsem[b]).wait()
                s = pltpu.async_copy(rows[b], acc_sh.at[dst_v.at[j]],
                                     ssem[b], add=True)
                cc = pltpu.async_copy(ones_v, cnt_sh.at[dst_v.at[j]],
                                      csem[b], add=True)
                s.wait()
                cc.wait()

                @pl.when(j + 2 < HCH)
                def _prefetch():
                    pltpu.async_copy(y_hbm.at[src_v.at[j + 2]], rows[b],
                                     gsem[b])
            return carry

        lax.fori_loop(0, HCH // 2, step, 0)
    plsc.subcore_barrier()
    pltpu.sync_copy(acc_sh.at[pl.ds(s * RPS, RPS)],
                    p_hbm.at[c].at[pl.ds(s * RPS, RPS)])
    pltpu.sync_copy(cnt_sh.at[pl.ds(s * RPS, RPS)],
                    cnt_hbm.at[c].at[pl.ds(s * RPS, RPS)])


def _sc_agg_body(y_hbm, src_hbm, dst_hbm, z_hbm,
                 p_hbm,
                 src_v, dst_v, rows0_v, rows1_v, acc_sh,
                 gsem0, gsem1, ssem0, ssem1):
    rows = (rows0_v, rows1_v)
    gsem = (gsem0, gsem1)
    ssem = (ssem0, ssem1)
    c = lax.axis_index("c")
    s = lax.axis_index("s")
    w = s * NC + c
    pltpu.sync_copy(z_hbm.at[pl.ds(s * RPS, RPS)],
                    acc_sh.at[pl.ds(s * RPS, RPS)])
    plsc.subcore_barrier()
    for h in (0, 1):
        pltpu.sync_copy(src_hbm.at[w].at[pl.ds(h * HCH, HCH)], src_v)
        pltpu.sync_copy(dst_hbm.at[w].at[pl.ds(h * HCH, HCH)], dst_v)
        pltpu.async_copy(y_hbm.at[src_v.at[0]], rows[0], gsem[0])
        pltpu.async_copy(y_hbm.at[src_v.at[1]], rows[1], gsem[1])

        def step(i, carry):
            for b in (0, 1):
                j = 2 * i + b
                pltpu.make_async_copy(y_hbm.at[src_v.at[0]], rows[b],
                                      gsem[b]).wait()
                s = pltpu.async_copy(rows[b], acc_sh.at[dst_v.at[j]],
                                     ssem[b], add=True)
                s.wait()

                @pl.when(j + 2 < HCH)
                def _prefetch():
                    pltpu.async_copy(y_hbm.at[src_v.at[j + 2]], rows[b],
                                     gsem[b])
            return carry

        lax.fori_loop(0, HCH // 2, step, 0)
    plsc.subcore_barrier()
    pltpu.sync_copy(acc_sh.at[pl.ds(s * RPS, RPS)],
                    p_hbm.at[c].at[pl.ds(s * RPS, RPS)])


@functools.cache
def _build_sc_kernels():
    mesh = plsc.VectorSubcoreMesh(core_axis_name="c", subcore_axis_name="s",
                                  num_cores=NC, num_subcores=NS)
    sc_agg_counts = pl.kernel(
        _sc_agg_counts_body,
        out_type=(jax.ShapeDtypeStruct((NC, NROW, D), jnp.float32),
                  jax.ShapeDtypeStruct((NC, NROW), jnp.float32)),
        mesh=mesh,
        scratch_types=[
            pltpu.VMEM((HCH, CSZ), jnp.int32),
            pltpu.VMEM((HCH, CSZ), jnp.int32),
            pltpu.VMEM((CSZ, D), jnp.float32),
            pltpu.VMEM((CSZ, D), jnp.float32),
            pltpu.VMEM((CSZ,), jnp.float32),
            pltpu.VMEM_SHARED((NROW, D), jnp.float32),
            pltpu.VMEM_SHARED((NROW,), jnp.float32),
        ] + [pltpu.SemaphoreType.DMA] * 6,
    )
    sc_agg = pl.kernel(
        _sc_agg_body,
        out_type=jax.ShapeDtypeStruct((NC, NROW, D), jnp.float32),
        mesh=mesh,
        scratch_types=[
            pltpu.VMEM((HCH, CSZ), jnp.int32),
            pltpu.VMEM((HCH, CSZ), jnp.int32),
            pltpu.VMEM((CSZ, D), jnp.float32),
            pltpu.VMEM((CSZ, D), jnp.float32),
            pltpu.VMEM_SHARED((NROW, D), jnp.float32),
        ] + [pltpu.SemaphoreType.DMA] * 4,
    )
    return sc_agg_counts, sc_agg

BR = 2048
_DOT_T = (((1,), (1,)), ((), ()))


def _proj_body(x_ref, w_ref, o_ref):
    o_ref[...] = lax.dot_general(x_ref[...], w_ref[...], _DOT_T,
                                 preferred_element_type=jnp.float32)


def _tc_proj(x, w):
    return pl.pallas_call(
        _proj_body,
        grid=(NROW // BR,),
        in_specs=[pl.BlockSpec((BR, D), lambda i: (i, 0)),
                  pl.BlockSpec((D, D), lambda i: (0, 0))],
        out_specs=pl.BlockSpec((BR, D), lambda i: (i, 0)),
        out_shape=jax.ShapeDtypeStruct((NROW, D), jnp.float32),
    )(x, w)


def _mid_body(p_ref, c_ref, x_ref, w1r, b1, w2l, h1_ref, y2_ref):
    cnt = c_ref[0] + c_ref[1]
    agg = (p_ref[0] + p_ref[1]) / jnp.maximum(cnt, 1.0)
    root = lax.dot_general(x_ref[...], w1r[...], _DOT_T,
                           preferred_element_type=jnp.float32)
    h1 = jnp.maximum(agg + root + b1[...], 0.0)
    h1_ref[...] = h1
    y2 = lax.dot_general(h1, w2l[...], _DOT_T,
                         preferred_element_type=jnp.float32)
    gid = pl.program_id(0) * BR + lax.broadcasted_iota(jnp.int32, (BR, 1), 0)
    y2_ref[...] = jnp.where(gid < N, y2, 0.0)


def _tc_mid(p, cnts, x, w1r, b1, w2l):
    blk = lambda i: (i, 0)
    blk3 = lambda i: (0, i, 0)
    whole = lambda i: (0, 0)
    return pl.pallas_call(
        _mid_body,
        grid=(NROW // BR,),
        in_specs=[pl.BlockSpec((NC, BR, D), blk3),
                  pl.BlockSpec((NC, BR, 1), blk3),
                  pl.BlockSpec((BR, D), blk),
                  pl.BlockSpec((D, D), whole), pl.BlockSpec((1, D), whole),
                  pl.BlockSpec((D, D), whole)],
        out_specs=[pl.BlockSpec((BR, D), blk), pl.BlockSpec((BR, D), blk)],
        out_shape=(jax.ShapeDtypeStruct((NROW, D), jnp.float32),
                   jax.ShapeDtypeStruct((NROW, D), jnp.float32)),
    )(p, cnts, x, w1r, b1, w2l)


def _fin_body(p_ref, c_ref, h1_ref, w2r, b2, wlin, blin, o_ref):
    cnt = c_ref[0] + c_ref[1]
    agg = (p_ref[0] + p_ref[1]) / jnp.maximum(cnt, 1.0)
    root = lax.dot_general(h1_ref[...], w2r[...], _DOT_T,
                           preferred_element_type=jnp.float32)
    h2 = jnp.maximum(agg + root + b2[...], 0.0)
    logits = lax.dot_general(h2, wlin[...], _DOT_T,
                             preferred_element_type=jnp.float32) + blin[...]
    col = lax.broadcasted_iota(jnp.int32, logits.shape, 1)
    logits = jnp.where(col < 2, logits, -1e30)
    m = jnp.max(logits, axis=1, keepdims=True)
    sh = logits - m
    lse = jnp.log(jnp.sum(jnp.exp(sh), axis=1, keepdims=True))
    o_ref[...] = lax.slice(sh - lse, (0, 0), (sh.shape[0], 2))


def _tc_fin(p, cnts, h1, w2r, b2, wlin, blin):
    blk = lambda i: (i, 0)
    blk3 = lambda i: (0, i, 0)
    whole = lambda i: (0, 0)
    return pl.pallas_call(
        _fin_body,
        grid=(NROW // BR,),
        in_specs=[pl.BlockSpec((NC, BR, D), blk3),
                  pl.BlockSpec((NC, BR, 1), blk3),
                  pl.BlockSpec((BR, D), blk),
                  pl.BlockSpec((D, D), whole), pl.BlockSpec((1, D), whole),
                  pl.BlockSpec((CW, D), whole), pl.BlockSpec((1, CW), whole)],
        out_specs=pl.BlockSpec((BR, 2), blk),
        out_shape=jax.ShapeDtypeStruct((N, 2), jnp.float32),
    )(p, cnts, h1, w2r, b2, wlin, blin)


def kernel(x, edge_index, W1l, b1, W1r, W2l, b2, W2r, Wlin, blin):
    f32 = jnp.float32
    src = edge_index[0].astype(jnp.int32)
    dst = edge_index[1].astype(jnp.int32)
    padv = N + (jnp.arange(EPAD - E, dtype=jnp.int32) % (NROW - N))
    src3 = jnp.concatenate([src, padv]).reshape(NW, CHUNKS, CSZ)
    dst3 = jnp.concatenate([dst, padv]).reshape(NW, CHUNKS, CSZ)
    zrow = jnp.zeros((NROW, D), f32)
    zcnt = jnp.zeros((NROW,), f32)
    ones = jnp.ones((CSZ,), f32)
    sc_agg_counts, sc_agg = _build_sc_kernels()

    x_pad = jnp.concatenate([x, jnp.zeros((NROW - N, D), f32)], axis=0)
    y1 = _tc_proj(x_pad, W1l)
    P1, C1 = sc_agg_counts(y1, src3, dst3, zrow, zcnt, ones)
    cnts = C1.reshape(NC, NROW, 1)
    h1, y2 = _tc_mid(P1, cnts, x_pad, W1r, b1.reshape(1, D), W2l)
    P2 = sc_agg(y2, src3, dst3, zrow)
    wlin_pad = jnp.concatenate([Wlin, jnp.zeros((CW - 2, D), f32)], axis=0)
    blin_pad = jnp.concatenate([blin, jnp.zeros((CW - 2,), f32)]).reshape(1, CW)
    return _tc_fin(P2, cnts, h1, W2r, b2.reshape(1, D), wlin_pad, blin_pad)

# --- scband reference (transcript-rebuilt; emitter-appended) ---
"""Pipeline reference for scband-risk-gnn-22728966930758 (READ-ONLY COPY).

The authoritative reference and input builder live on the scoring server;
editing this copy changes nothing except your own understanding.
"""

import jax, jax.numpy as jnp
import numpy as np

N, E = 10000, 320000
D_IN, D_HID, D_OUT = 128, 128, 2


def _glorot(key, shape):
    fan_in = shape[-1]
    return jax.random.normal(key, shape, dtype=jnp.float32) * (1.0 / np.sqrt(fan_in))


def setup_inputs(seed: int = 0) -> dict:
    key = jax.random.key(seed)
    ks = jax.random.split(key, 12)
    x = jax.random.normal(ks[0], (N, D_IN), dtype=jnp.float32)
    edge_index = jax.random.randint(ks[1], (2, E), 0, N, dtype=jnp.int32)
    # SAGEConv1: lin_l (applied to aggregated neighbors, has bias), lin_r (root, no bias)
    W1l = _glorot(ks[2], (D_HID, D_IN))
    b1 = jnp.zeros((D_HID,), dtype=jnp.float32)
    W1r = _glorot(ks[3], (D_HID, D_IN))
    # SAGEConv2
    W2l = _glorot(ks[4], (D_HID, D_HID))
    b2 = jnp.zeros((D_HID,), dtype=jnp.float32)
    W2r = _glorot(ks[5], (D_HID, D_HID))
    # final linear
    Wlin = _glorot(ks[6], (D_OUT, D_HID))
    blin = jnp.zeros((D_OUT,), dtype=jnp.float32)
    return {"x": x, "edge_index": edge_index, "W1l": W1l, "b1": b1, "W1r": W1r,
            "W2l": W2l, "b2": b2, "W2r": W2r, "Wlin": Wlin, "blin": blin}


def _sage_conv(x, edge_index, Wl, b, Wr):
    # PyG SAGEConv with mean aggregation:
    # out = lin_l(mean_{j in N(i)} x_j) + lin_r(x_i)
    src = edge_index[0]
    dst = edge_index[1]
    msgs = jnp.take(x, src, axis=0)                       # gather  [E, d]
    summed = jax.ops.segment_sum(msgs, dst, num_segments=x.shape[0])
    ones = jnp.ones((edge_index.shape[1],), dtype=x.dtype)
    cnt = jax.ops.segment_sum(ones, dst, num_segments=x.shape[0])
    agg = summed / jnp.clip(cnt, 1.0, None)[:, None]      # mean with deg>=1 guard
    return agg @ Wl.T + b + x @ Wr.T


def reference(x, edge_index, W1l, b1, W1r, W2l, b2, W2r, Wlin, blin):
    h = _sage_conv(x, edge_index, W1l, b1, W1r)
    h = jax.nn.relu(h)
    # dropout p=0.2 is identity in eval mode
    h = _sage_conv(h, edge_index, W2l, b2, W2r)
    h = jax.nn.relu(h)
    out = h @ Wlin.T + blin
    return jax.nn.log_softmax(out, axis=1)

if __name__ == "__main__":
    import jax
    _d = setup_inputs()
    print(jax.jit(kernel)(*tuple(_d.values())))

</pallas_src>

<mosaic_0001>
#map = affine_map<(d0, d1) -> (0, 0)>
#map1 = affine_map<(d0, d1) -> (0, 0, 0)>
#map2 = affine_map<(d0, d1) -> (0)>
module attributes {stable_mosaic.version = 14 : i64} {
  func.func @_sc_agg_counts_body(%arg0: i32, %arg1: i32, %arg2: memref<10240x128xf32, #tpu.memory_space<hbm>>, %arg3: memref<32x80x128xi32, #tpu.memory_space<hbm>>, %arg4: memref<32x80x128xi32, #tpu.memory_space<hbm>>, %arg5: memref<10240x128xf32, #tpu.memory_space<hbm>>, %arg6: memref<10240xf32, #tpu.memory_space<hbm>>, %arg7: memref<128xf32, #tpu.memory_space<hbm>>, %arg8: memref<2x10240x128xf32, #tpu.memory_space<hbm>>, %arg9: memref<2x10240xf32, #tpu.memory_space<hbm>>, %arg10: memref<40x128xi32, #tpu.memory_space<vmem>>, %arg11: memref<40x128xi32, #tpu.memory_space<vmem>>, %arg12: memref<128x128xf32, #tpu.memory_space<vmem>>, %arg13: memref<128x128xf32, #tpu.memory_space<vmem>>, %arg14: memref<128xf32, #tpu.memory_space<vmem>>, %arg15: memref<10240x128xf32, #tpu.memory_space<vmem_shared>>, %arg16: memref<10240xf32, #tpu.memory_space<vmem_shared>>, %arg17: memref<!tpu.dma_semaphore, #tpu.memory_space<semaphore_mem>>, %arg18: memref<!tpu.dma_semaphore, #tpu.memory_space<semaphore_mem>>, %arg19: memref<!tpu.dma_semaphore, #tpu.memory_space<semaphore_mem>>, %arg20: memref<!tpu.dma_semaphore, #tpu.memory_space<semaphore_mem>>, %arg21: memref<!tpu.dma_semaphore, #tpu.memory_space<semaphore_mem>>, %arg22: memref<!tpu.dma_semaphore, #tpu.memory_space<semaphore_mem>>) attributes {dimension_semantics = [#tpu.dimension_semantics<core_parallel>, #tpu.dimension_semantics<subcore_parallel>], iteration_bounds = array<i64: 2, 16>, scalar_prefetch = 0 : i64, scratch_operands = 13 : i64, tpu.core_type = #tpu.core_type<sc_vector_subcore>, window_params = [{transform_indices = #map}, {transform_indices = #map1}, {transform_indices = #map1}, {transform_indices = #map}, {transform_indices = #map2}, {transform_indices = #map2}, {transform_indices = #map1}, {transform_indices = #map}]} {
    %mul3A = arith.constant 2 : i32
    %mul3A_0 = arith.muli %arg1, %mul3A : i32
    %add3A = arith.addi %mul3A_0, %arg0 : i32
    %mul3A_1 = arith.constant 640 : i32
    %mul3A_2 = arith.muli %arg1, %mul3A_1 : i32
    %mul3A_3 = arith.constant 640 : i32
    %mul3A_4 = arith.muli %arg1, %mul3A_3 : i32
    "tpu.region"() ({
      %run_scoped3A = tpu.sem_alloc : memref<!tpu.dma_semaphore, #tpu.memory_space<semaphore_mem>>
      %dma_start3A_56 = arith.constant 0 : i32
      %dma_start3A_57 = tpu.memref_slice %arg15[%mul3A_4, %dma_start3A_56] : memref<10240x128xf32, #tpu.memory_space<vmem_shared>> -> memref<640x128xf32, #tpu.memory_space<vmem_shared>>
      %dma_start3A_58 = arith.constant 0 : i32
      %dma_start3A_59 = tpu.memref_slice %arg5[%mul3A_2, %dma_start3A_58] : memref<10240x128xf32, #tpu.memory_space<hbm>> -> memref<640x128xf32, #tpu.memory_space<hbm>>
      tpu.enqueue_dma source(%dma_start3A_59 : memref<640x128xf32, #tpu.memory_space<hbm>>) target(%dma_start3A_57 : memref<640x128xf32, #tpu.memory_space<vmem_shared>>) target_semaphore(%run_scoped3A : memref<!tpu.dma_semaphore, #tpu.memory_space<semaphore_mem>>)
      %dma_wait3A = arith.constant 0 : i32
      %dma_wait3A_60 = tpu.memref_slice %arg15[%mul3A_4, %dma_wait3A] : memref<10240x128xf32, #tpu.memory_space<vmem_shared>> -> memref<640x128xf32, #tpu.memory_space<vmem_shared>>
      %dma_wait3A_61 = arith.constant 0 : i32
      %dma_wait3A_62 = tpu.memref_slice %arg5[%mul3A_2, %dma_wait3A_61] : memref<10240x128xf32, #tpu.memory_space<hbm>> -> memref<640x128xf32, #tpu.memory_space<hbm>>
      tpu.wait_dma2 semaphore(%run_scoped3A : memref<!tpu.dma_semaphore, #tpu.memory_space<semaphore_mem>>) src(%dma_wait3A_62 : memref<640x128xf32, #tpu.memory_space<hbm>>) dst(%dma_wait3A_60 : memref<640x128xf32, #tpu.memory_space<vmem_shared>>)
      tpu.yield
    }) : () -> ()
    %mul3A_5 = arith.constant 640 : i32
    %mul3A_6 = arith.muli %arg1, %mul3A_5 : i32
    %mul3A_7 = arith.constant 640 : i32
    %mul3A_8 = arith.muli %arg1, %mul3A_7 : i32
    "tpu.region"() ({
      %run_scoped3A = tpu.sem_alloc : memref<!tpu.dma_semaphore, #tpu.memory_space<semaphore_mem>>
      %dma_start3A_56 = tpu.memref_slice %arg16[%mul3A_8] : memref<10240xf32, #tpu.memory_space<vmem_shared>> -> memref<640xf32, #tpu.memory_space<vmem_shared>>
      %dma_start3A_57 = tpu.memref_slice %arg6[%mul3A_6] : memref<10240xf32, #tpu.memory_space<hbm>> -> memref<640xf32, #tpu.memory_space<hbm>>
      tpu.enqueue_dma source(%dma_start3A_57 : memref<640xf32, #tpu.memory_space<hbm>>) target(%dma_start3A_56 : memref<640xf32, #tpu.memory_space<vmem_shared>>) target_semaphore(%run_scoped3A : memref<!tpu.dma_semaphore, #tpu.memory_space<semaphore_mem>>)
      %dma_wait3A = tpu.memref_slice %arg16[%mul3A_8] : memref<10240xf32, #tpu.memory_space<vmem_shared>> -> memref<640xf32, #tpu.memory_space<vmem_shared>>
      %dma_wait3A_58 = tpu.memref_slice %arg6[%mul3A_6] : memref<10240xf32, #tpu.memory_space<hbm>> -> memref<640xf32, #tpu.memory_space<hbm>>
      tpu.wait_dma2 semaphore(%run_scoped3A : memref<!tpu.dma_semaphore, #tpu.memory_space<semaphore_mem>>) src(%dma_wait3A_58 : memref<640xf32, #tpu.memory_space<hbm>>) dst(%dma_wait3A : memref<640xf32, #tpu.memory_space<vmem_shared>>)
      tpu.yield
    }) : () -> ()
    "tpu.region"() ({
      %run_scoped3A = tpu.sem_alloc : memref<!tpu.dma_semaphore, #tpu.memory_space<semaphore_mem>>
      tpu.enqueue_dma source(%arg7 : memref<128xf32, #tpu.memory_space<hbm>>) target(%arg14 : memref<128xf32, #tpu.memory_space<vmem>>) target_semaphore(%run_scoped3A : memref<!tpu.dma_semaphore, #tpu.memory_space<semaphore_mem>>)
      tpu.wait_dma2 semaphore(%run_scoped3A : memref<!tpu.dma_semaphore, #tpu.memory_space<semaphore_mem>>) src(%arg7 : memref<128xf32, #tpu.memory_space<hbm>>) dst(%arg14 : memref<128xf32, #tpu.memory_space<vmem>>)
      tpu.yield
    }) : () -> ()
    %barrier3A = arith.constant 0 : index
    tpu.barrier barrier_id(%barrier3A)
    "tpu.region"() ({
      %run_scoped3A = tpu.sem_alloc : memref<!tpu.dma_semaphore, #tpu.memory_space<semaphore_mem>>
      %dma_start3A_56 = arith.constant 0 : i32
      %dma_start3A_57 = arith.constant 0 : i32
      %dma_start3A_58 = tpu.memref_slice %arg3[%add3A, %dma_start3A_56, %dma_start3A_57] : memref<32x80x128xi32, #tpu.memory_space<hbm>> -> memref<1x80x128xi32, #tpu.memory_space<hbm>>
      %dma_start3A_59 = tpu.memref_squeeze %dma_start3A_58 : memref<1x80x128xi32, #tpu.memory_space<hbm>> -> memref<80x128xi32, #tpu.memory_space<hbm>>
      %dma_start3A_60 = arith.constant 0 : i32
      %dma_start3A_61 = arith.constant 0 : i32
      %dma_start3A_62 = tpu.memref_slice %dma_start3A_59[%dma_start3A_60, %dma_start3A_61] : memref<80x128xi32, #tpu.memory_space<hbm>> -> memref<40x128xi32, #tpu.memory_space<hbm>>
      %dma_start3A_63 = arith.constant 0 : i32
      %dma_start3A_64 = arith.constant 0 : i32
      %dma_start3A_65 = tpu.memref_slice %arg3[%add3A, %dma_start3A_63, %dma_start3A_64] : memref<32x80x128xi32, #tpu.memory_space<hbm>> -> memref<1x80x128xi32, #tpu.memory_space<hbm>>
      %dma_start3A_66 = tpu.memref_squeeze %dma_start3A_65 : memref<1x80x128xi32, #tpu.memory_space<hbm>> -> memref<80x128xi32, #tpu.memory_space<hbm>>
      %dma_start3A_67 = arith.constant 0 : i32
      %dma_start3A_68 = arith.constant 0 : i32
      %dma_start3A_69 = tpu.memref_slice %dma_start3A_66[%dma_start3A_67, %dma_start3A_68] : memref<80x128xi32, #tpu.memory_space<hbm>> -> memref<40x128xi32, #tpu.memory_space<hbm>>
      tpu.enqueue_dma source(%dma_start3A_69 : memref<40x128xi32, #tpu.memory_space<hbm>>) target(%arg10 : memref<40x128xi32, #tpu.memory_space<vmem>>) target_semaphore(%run_scoped3A : memref<!tpu.dma_semaphore, #tpu.memory_space<semaphore_mem>>)
      %dma_wait3A = arith.constant 0 : i32
      %dma_wait3A_70 = arith.constant 0 : i32
      %dma_wait3A_71 = tpu.memref_slice %arg3[%add3A, %dma_wait3A, %dma_wait3A_70] : memref<32x80x128xi32, #tpu.memory_space<hbm>> -> memref<1x80x128xi32, #tpu.memory_space<hbm>>
      %dma_wait3A_72 = tpu.memref_squeeze %dma_wait3A_71 : memref<1x80x128xi32, #tpu.memory_space<hbm>> -> memref<80x128xi32, #tpu.memory_space<hbm>>
      %dma_wait3A_73 = arith.constant 0 : i32
      %dma_wait3A_74 = arith.constant 0 : i32
      %dma_wait3A_75 = tpu.memref_slice %dma_wait3A_72[%dma_wait3A_73, %dma_wait3A_74] : memref<80x128xi32, #tpu.memory_space<hbm>> -> memref<40x128xi32, #tpu.memory_space<hbm>>
      %dma_wait3A_76 = arith.constant 0 : i32
      %dma_wait3A_77 = arith.constant 0 : i32
      %dma_wait3A_78 = tpu.memref_slice %arg3[%add3A, %dma_wait3A_76, %dma_wait3A_77] : memref<32x80x128xi32, #tpu.memory_space<hbm>> -> memref<1x80x128xi32, #tpu.memory_space<hbm>>
      %dma_wait3A_79 = tpu.memref_squeeze %dma_wait3A_78 : memref<1x80x128xi32, #tpu.memory_space<hbm>> -> memref<80x128xi32, #tpu.memory_space<hbm>>
      %dma_wait3A_80 = arith.constant 0 : i32
      %dma_wait3A_81 = arith.constant 0 : i32
      %dma_wait3A_82 = tpu.memref_slice %dma_wait3A_79[%dma_wait3A_80, %dma_wait3A_81] : memref<80x128xi32, #tpu.memory_space<hbm>> -> memref<40x128xi32, #tpu.memory_space<hbm>>
      tpu.wait_dma2 semaphore(%run_scoped3A : memref<!tpu.dma_semaphore, #tpu.memory_space<semaphore_mem>>) src(%dma_wait3A_82 : memref<40x128xi32, #tpu.memory_space<hbm>>) dst(%arg10 : memref<40x128xi32, #tpu.memory_space<vmem>>)
      tpu.yield
    }) : () -> ()
    "tpu.region"() ({
      %run_scoped3A = tpu.sem_alloc : memref<!tpu.dma_semaphore, #tpu.memory_space<semaphore_mem>>
      %dma_start3A_56 = arith.constant 0 : i32
      %dma_start3A_57 = arith.constant 0 : i32
      %dma_start3A_58 = tpu.memref_slice %arg4[%add3A, %dma_start3A_56, %dma_start3A_57] : memref<32x80x128xi32, #tpu.memory_space<hbm>> -> memref<1x80x128xi32, #tpu.memory_space<hbm>>
      %dma_start3A_59 = tpu.memref_squeeze %dma_start3A_58 : memref<1x80x128xi32, #tpu.memory_space<hbm>> -> memref<80x128xi32, #tpu.memory_space<hbm>>
      %dma_start3A_60 = arith.constant 0 : i32
      %dma_start3A_61 = arith.constant 0 : i32
      %dma_start3A_62 = tpu.memref_slice %dma_start3A_59[%dma_start3A_60, %dma_start3A_61] : memref<80x128xi32, #tpu.memory_space<hbm>> -> memref<40x128xi32, #tpu.memory_space<hbm>>
      %dma_start3A_63 = arith.constant 0 : i32
      %dma_start3A_64 = arith.constant 0 : i32
      %dma_start3A_65 = tpu.memref_slice %arg4[%add3A, %dma_start3A_63, %dma_start3A_64] : memref<32x80x128xi32, #tpu.memory_space<hbm>> -> memref<1x80x128xi32, #tpu.memory_space<hbm>>
      %dma_start3A_66 = tpu.memref_squeeze %dma_start3A_65 : memref<1x80x128xi32, #tpu.memory_space<hbm>> -> memref<80x128xi32, #tpu.memory_space<hbm>>
      %dma_start3A_67 = arith.constant 0 : i32
      %dma_start3A_68 = arith.constant 0 : i32
      %dma_start3A_69 = tpu.memref_slice %dma_start3A_66[%dma_start3A_67, %dma_start3A_68] : memref<80x128xi32, #tpu.memory_space<hbm>> -> memref<40x128xi32, #tpu.memory_space<hbm>>
      tpu.enqueue_dma source(%dma_start3A_69 : memref<40x128xi32, #tpu.memory_space<hbm>>) target(%arg11 : memref<40x128xi32, #tpu.memory_space<vmem>>) target_semaphore(%run_scoped3A : memref<!tpu.dma_semaphore, #tpu.memory_space<semaphore_mem>>)
      %dma_wait3A = arith.constant 0 : i32
      %dma_wait3A_70 = arith.constant 0 : i32
      %dma_wait3A_71 = tpu.memref_slice %arg4[%add3A, %dma_wait3A, %dma_wait3A_70] : memref<32x80x128xi32, #tpu.memory_space<hbm>> -> memref<1x80x128xi32, #tpu.memory_space<hbm>>
      %dma_wait3A_72 = tpu.memref_squeeze %dma_wait3A_71 : memref<1x80x128xi32, #tpu.memory_space<hbm>> -> memref<80x128xi32, #tpu.memory_space<hbm>>
      %dma_wait3A_73 = arith.constant 0 : i32
      %dma_wait3A_74 = arith.constant 0 : i32
      %dma_wait3A_75 = tpu.memref_slice %dma_wait3A_72[%dma_wait3A_73, %dma_wait3A_74] : memref<80x128xi32, #tpu.memory_space<hbm>> -> memref<40x128xi32, #tpu.memory_space<hbm>>
      %dma_wait3A_76 = arith.constant 0 : i32
      %dma_wait3A_77 = arith.constant 0 : i32
      %dma_wait3A_78 = tpu.memref_slice %arg4[%add3A, %dma_wait3A_76, %dma_wait3A_77] : memref<32x80x128xi32, #tpu.memory_space<hbm>> -> memref<1x80x128xi32, #tpu.memory_space<hbm>>
      %dma_wait3A_79 = tpu.memref_squeeze %dma_wait3A_78 : memref<1x80x128xi32, #tpu.memory_space<hbm>> -> memref<80x128xi32, #tpu.memory_space<hbm>>
      %dma_wait3A_80 = arith.constant 0 : i32
      %dma_wait3A_81 = arith.constant 0 : i32
      %dma_wait3A_82 = tpu.memref_slice %dma_wait3A_79[%dma_wait3A_80, %dma_wait3A_81] : memref<80x128xi32, #tpu.memory_space<hbm>> -> memref<40x128xi32, #tpu.memory_space<hbm>>
      tpu.wait_dma2 semaphore(%run_scoped3A : memref<!tpu.dma_semaphore, #tpu.memory_space<semaphore_mem>>) src(%dma_wait3A_82 : memref<40x128xi32, #tpu.memory_space<hbm>>) dst(%arg11 : memref<40x128xi32, #tpu.memory_space<vmem>>)
      tpu.yield
    }) : () -> ()
    %dma_start3A = arith.constant 0 : i32
    %dma_start3A_9 = arith.constant 0 : i32
    %dma_start3A_10 = tpu.memref_slice %arg10[%dma_start3A, %dma_start3A_9] : memref<40x128xi32, #tpu.memory_space<vmem>> -> memref<1x128xi32, #tpu.memory_space<vmem>>
    %dma_start3A_11 = tpu.memref_squeeze %dma_start3A_10 : memref<1x128xi32, #tpu.memory_space<vmem>> -> memref<128xi32, #tpu.memory_space<vmem>>
    %dma_start3A_12 = arith.constant 0 : i32
    %dma_start3A_13 = arith.constant 0 : i32
    %dma_start3A_14 = tpu.memref_slice %arg2[%dma_start3A_12, %dma_start3A_13] : memref<10240x128xf32, #tpu.memory_space<hbm>> -> memref<10240x128xf32, #tpu.memory_space<hbm>>
    tpu.enqueue_indirect_dma source(%dma_start3A_14 : memref<10240x128xf32, #tpu.memory_space<hbm>>) target(%arg12 : memref<128x128xf32, #tpu.memory_space<vmem>>) offsets(%dma_start3A_11 : memref<128xi32, #tpu.memory_space<vmem>>) semaphore(%arg17 : memref<!tpu.dma_semaphore, #tpu.memory_space<semaphore_mem>>)
    %dma_start3A_15 = arith.constant 1 : i32
    %dma_start3A_16 = arith.constant 0 : i32
    %dma_start3A_17 = tpu.memref_slice %arg10[%dma_start3A_15, %dma_start3A_16] : memref<40x128xi32, #tpu.memory_space<vmem>> -> memref<1x128xi32, #tpu.memory_space<vmem>>
    %dma_start3A_18 = tpu.memref_squeeze %dma_start3A_17 : memref<1x128xi32, #tpu.memory_space<vmem>> -> memref<128xi32, #tpu.memory_space<vmem>>
    %dma_start3A_19 = arith.constant 0 : i32
    %dma_start3A_20 = arith.constant 0 : i32
    %dma_start3A_21 = tpu.memref_slice %arg2[%dma_start3A_19, %dma_start3A_20] : memref<10240x128xf32, #tpu.memory_space<hbm>> -> memref<10240x128xf32, #tpu.memory_space<hbm>>
    tpu.enqueue_indirect_dma source(%dma_start3A_21 : memref<10240x128xf32, #tpu.memory_space<hbm>>) target(%arg13 : memref<128x128xf32, #tpu.memory_space<vmem>>) offsets(%dma_start3A_18 : memref<128xi32, #tpu.memory_space<vmem>>) semaphore(%arg18 : memref<!tpu.dma_semaphore, #tpu.memory_space<semaphore_mem>>)
    %scan3A = arith.constant 0 : i32
    %scan3A_22 = arith.constant 0 : i32
    %scan3A_23 = arith.constant 20 : i32
    %scan3A_24 = arith.addi %scan3A_22, %scan3A_23 : i32
    %scan3A_25 = arith.constant 1 : i32
    scf.for %scan3A_56 = %scan3A_22 to %scan3A_24 step %scan3A_25  : i32 {
      %mul3A_57 = arith.constant 2 : i32
      %mul3A_58 = arith.muli %mul3A_57, %scan3A_56 : i32
      %add3A_59 = arith.constant 0 : i32
      %add3A_60 = arith.addi %mul3A_58, %add3A_59 : i32
      %dma_wait3A = arith.constant 0 : i32
      %dma_wait3A_61 = arith.constant 0 : i32
      %dma_wait3A_62 = tpu.memref_slice %arg10[%dma_wait3A, %dma_wait3A_61] : memref<40x128xi32, #tpu.memory_space<vmem>> -> memref<1x128xi32, #tpu.memory_space<vmem>>
      %dma_wait3A_63 = tpu.memref_squeeze %dma_wait3A_62 : memref<1x128xi32, #tpu.memory_space<vmem>> -> memref<128xi32, #tpu.memory_space<vmem>>
      %dma_wait3A_64 = arith.constant 0 : i32
      %dma_wait3A_65 = arith.constant 0 : i32
      %dma_wait3A_66 = tpu.memref_slice %arg2[%dma_wait3A_64, %dma_wait3A_65] : memref<10240x128xf32, #tpu.memory_space<hbm>> -> memref<10240x128xf32, #tpu.memory_space<hbm>>
      tpu.wait_indirect_dma semaphore(%arg17 : memref<!tpu.dma_semaphore, #tpu.memory_space<semaphore_mem>>) src(%dma_wait3A_66 : memref<10240x128xf32, #tpu.memory_space<hbm>>) dst(%arg12 : memref<128x128xf32, #tpu.memory_space<vmem>>)
      %dma_start3A_67 = arith.constant 0 : i32
      %dma_start3A_68 = tpu.memref_slice %arg11[%add3A_60, %dma_start3A_67] : memref<40x128xi32, #tpu.memory_space<vmem>> -> memref<1x128xi32, #tpu.memory_space<vmem>>
      %dma_start3A_69 = tpu.memref_squeeze %dma_start3A_68 : memref<1x128xi32, #tpu.memory_space<vmem>> -> memref<128xi32, #tpu.memory_space<vmem>>
      %dma_start3A_70 = arith.constant 0 : i32
      %dma_start3A_71 = arith.constant 0 : i32
      %dma_start3A_72 = tpu.memref_slice %arg15[%dma_start3A_70, %dma_start3A_71] : memref<10240x128xf32, #tpu.memory_space<vmem_shared>> -> memref<10240x128xf32, #tpu.memory_space<vmem_shared>>
      tpu.enqueue_indirect_dma source(%arg12 : memref<128x128xf32, #tpu.memory_space<vmem>>) target(%dma_start3A_72 : memref<10240x128xf32, #tpu.memory_space<vmem_shared>>) offsets(%dma_start3A_69 : memref<128xi32, #tpu.memory_space<vmem>>) semaphore(%arg19 : memref<!tpu.dma_semaphore, #tpu.memory_space<semaphore_mem>>) {add = true}
      %dma_start3A_73 = arith.constant 0 : i32
      %dma_start3A_74 = tpu.memref_slice %arg11[%add3A_60, %dma_start3A_73] : memref<40x128xi32, #tpu.memory_space<vmem>> -> memref<1x128xi32, #tpu.memory_space<vmem>>
      %dma_start3A_75 = tpu.memref_squeeze %dma_start3A_74 : memref<1x128xi32, #tpu.memory_space<vmem>> -> memref<128xi32, #tpu.memory_space<vmem>>
      %dma_start3A_76 = arith.constant 0 : i32
      %dma_start3A_77 = tpu.memref_slice %arg16[%dma_start3A_76] : memref<10240xf32, #tpu.memory_space<vmem_shared>> -> memref<10240xf32, #tpu.memory_space<vmem_shared>>
      tpu.enqueue_indirect_dma source(%arg14 : memref<128xf32, #tpu.memory_space<vmem>>) target(%dma_start3A_77 : memref<10240xf32, #tpu.memory_space<vmem_shared>>) offsets(%dma_start3A_75 : memref<128xi32, #tpu.memory_space<vmem>>) semaphore(%arg21 : memref<!tpu.dma_semaphore, #tpu.memory_space<semaphore_mem>>) {add = true}
      %dma_wait3A_78 = arith.constant 0 : i32
      %dma_wait3A_79 = tpu.memref_slice %arg11[%add3A_60, %dma_wait3A_78] : memref<40x128xi32, #tpu.memory_space<vmem>> -> memref<1x128xi32, #tpu.memory_space<vmem>>
      %dma_wait3A_80 = tpu.memref_squeeze %dma_wait3A_79 : memref<1x128xi32, #tpu.memory_space<vmem>> -> memref<128xi32, #tpu.memory_space<vmem>>
      %dma_wait3A_81 = arith.constant 0 : i32
      %dma_wait3A_82 = arith.constant 0 : i32
      %dma_wait3A_83 = tpu.memref_slice %arg15[%dma_wait3A_81, %dma_wait3A_82] : memref<10240x128xf32, #tpu.memory_space<vmem_shared>> -> memref<10240x128xf32, #tpu.memory_space<vmem_shared>>
      tpu.wait_indirect_dma semaphore(%arg19 : memref<!tpu.dma_semaphore, #tpu.memory_space<semaphore_mem>>) src(%arg12 : memref<128x128xf32, #tpu.memory_space<vmem>>) dst(%dma_wait3A_83 : memref<10240x128xf32, #tpu.memory_space<vmem_shared>>)
      %dma_wait3A_84 = arith.constant 0 : i32
      %dma_wait3A_85 = tpu.memref_slice %arg11[%add3A_60, %dma_wait3A_84] : memref<40x128xi32, #tpu.memory_space<vmem>> -> memref<1x128xi32, #tpu.memory_space<vmem>>
      %dma_wait3A_86 = tpu.memref_squeeze %dma_wait3A_85 : memref<1x128xi32, #tpu.memory_space<vmem>> -> memref<128xi32, #tpu.memory_space<vmem>>
      %dma_wait3A_87 = arith.constant 0 : i32
      %dma_wait3A_88 = tpu.memref_slice %arg16[%dma_wait3A_87] : memref<10240xf32, #tpu.memory_space<vmem_shared>> -> memref<10240xf32, #tpu.memory_space<vmem_shared>>
      tpu.wait_indirect_dma semaphore(%arg21 : memref<!tpu.dma_semaphore, #tpu.memory_space<semaphore_mem>>) src(%arg14 : memref<128xf32, #tpu.memory_space<vmem>>) dst(%dma_wait3A_88 : memref<10240xf32, #tpu.memory_space<vmem_shared>>)
      %add3A_89 = arith.constant 2 : i32
      %add3A_90 = arith.addi %add3A_60, %add3A_89 : i32
      %lt3A = arith.constant 40 : i32
      %lt3A_91 = arith.cmpi slt, %add3A_90, %lt3A : i32
      %convert_element_type3A = arith.extui %lt3A_91 : i1 to i32
      %cond3A = arith.constant 0 : i32
      %cond3A_92 = arith.cmpi ne, %convert_element_type3A, %cond3A : i32
      scf.if %cond3A_92 {
        %add3A_133 = arith.constant 2 : i32
        %add3A_134 = arith.addi %add3A_60, %add3A_133 : i32
        %dma_start3A_135 = arith.constant 0 : i32
        %dma_start3A_136 = tpu.memref_slice %arg10[%add3A_134, %dma_start3A_135] : memref<40x128xi32, #tpu.memory_space<vmem>> -> memref<1x128xi32, #tpu.memory_space<vmem>>
        %dma_start3A_137 = tpu.memref_squeeze %dma_start3A_136 : memref<1x128xi32, #tpu.memory_space<vmem>> -> memref<128xi32, #tpu.memory_space<vmem>>
        %dma_start3A_138 = arith.constant 0 : i32
        %dma_start3A_139 = arith.constant 0 : i32
        %dma_start3A_140 = tpu.memref_slice %arg2[%dma_start3A_138, %dma_start3A_139] : memref<10240x128xf32, #tpu.memory_space<hbm>> -> memref<10240x128xf32, #tpu.memory_space<hbm>>
        tpu.enqueue_indirect_dma source(%dma_start3A_140 : memref<10240x128xf32, #tpu.memory_space<hbm>>) target(%arg12 : memref<128x128xf32, #tpu.memory_space<vmem>>) offsets(%dma_start3A_137 : memref<128xi32, #tpu.memory_space<vmem>>) semaphore(%arg17 : memref<!tpu.dma_semaphore, #tpu.memory_space<semaphore_mem>>)
      } else {
      }
      %mul3A_93 = arith.constant 2 : i32
      %mul3A_94 = arith.muli %mul3A_93, %scan3A_56 : i32
      %add3A_95 = arith.constant 1 : i32
      %add3A_96 = arith.addi %mul3A_94, %add3A_95 : i32
      %dma_wait3A_97 = arith.constant 0 : i32
      %dma_wait3A_98 = arith.constant 0 : i32
      %dma_wait3A_99 = tpu.memref_slice %arg10[%dma_wait3A_97, %dma_wait3A_98] : memref<40x128xi32, #tpu.memory_space<vmem>> -> memref<1x128xi32, #tpu.memory_space<vmem>>
      %dma_wait3A_100 = tpu.memref_squeeze %dma_wait3A_99 : memref<1x128xi32, #tpu.memory_space<vmem>> -> memref<128xi32, #tpu.memory_space<vmem>>
      %dma_wait3A_101 = arith.constant 0 : i32
      %dma_wait3A_102 = arith.constant 0 : i32
      %dma_wait3A_103 = tpu.memref_slice %arg2[%dma_wait3A_101, %dma_wait3A_102] : memref<10240x128xf32, #tpu.memory_space<hbm>> -> memref<10240x128xf32, #tpu.memory_space<hbm>>
      tpu.wait_indirect_dma semaphore(%arg18 : memref<!tpu.dma_semaphore, #tpu.memory_space<semaphore_mem>>) src(%dma_wait3A_103 : memref<10240x128xf32, #tpu.memory_space<hbm>>) dst(%arg13 : memref<128x128xf32, #tpu.memory_space<vmem>>)
      %dma_start3A_104 = arith.constant 0 : i32
      %dma_start3A_105 = tpu.memref_slice %arg11[%add3A_96, %dma_start3A_104] : memref<40x128xi32, #tpu.memory_space<vmem>> -> memref<1x128xi32, #tpu.memory_space<vmem>>
      %dma_start3A_106 = tpu.memref_squeeze %dma_start3A_105 : memref<1x128xi32, #tpu.memory_space<vmem>> -> memref<128xi32, #tpu.memory_space<vmem>>
      %dma_start3A_107 = arith.constant 0 : i32
      %dma_start3A_108 = arith.constant 0 : i32
      %dma_start3A_109 = tpu.memref_slice %arg15[%dma_start3A_107, %dma_start3A_108] : memref<10240x128xf32, #tpu.memory_space<vmem_shared>> -> memref<10240x128xf32, #tpu.memory_space<vmem_shared>>
      tpu.enqueue_indirect_dma source(%arg13 : memref<128x128xf32, #tpu.memory_space<vmem>>) target(%dma_start3A_109 : memref<10240x128xf32, #tpu.memory_space<vmem_shared>>) offsets(%dma_start3A_106 : memref<128xi32, #tpu.memory_space<vmem>>) semaphore(%arg20 : memref<!tpu.dma_semaphore, #tpu.memory_space<semaphore_mem>>) {add = true}
      %dma_start3A_110 = arith.constant 0 : i32
      %dma_start3A_111 = tpu.memref_slice %arg11[%add3A_96, %dma_start3A_110] : memref<40x128xi32, #tpu.memory_space<vmem>> -> memref<1x128xi32, #tpu.memory_space<vmem>>
      %dma_start3A_112 = tpu.memref_squeeze %dma_start3A_111 : memref<1x128xi32, #tpu.memory_space<vmem>> -> memref<128xi32, #tpu.memory_space<vmem>>
      %dma_start3A_113 = arith.constant 0 : i32
      %dma_start3A_114 = tpu.memref_slice %arg16[%dma_start3A_113] : memref<10240xf32, #tpu.memory_space<vmem_shared>> -> memref<10240xf32, #tpu.memory_space<vmem_shared>>
      tpu.enqueue_indirect_dma source(%arg14 : memref<128xf32, #tpu.memory_space<vmem>>) target(%dma_start3A_114 : memref<10240xf32, #tpu.memory_space<vmem_shared>>) offsets(%dma_start3A_112 : memref<128xi32, #tpu.memory_space<vmem>>) semaphore(%arg22 : memref<!tpu.dma_semaphore, #tpu.memory_space<semaphore_mem>>) {add = true}
      %dma_wait3A_115 = arith.constant 0 : i32
      %dma_wait3A_116 = tpu.memref_slice %arg11[%add3A_96, %dma_wait3A_115] : memref<40x128xi32, #tpu.memory_space<vmem>> -> memref<1x128xi32, #tpu.memory_space<vmem>>
      %dma_wait3A_117 = tpu.memref_squeeze %dma_wait3A_116 : memref<1x128xi32, #tpu.memory_space<vmem>> -> memref<128xi32, #tpu.memory_space<vmem>>
      %dma_wait3A_118 = arith.constant 0 : i32
      %dma_wait3A_119 = arith.constant 0 : i32
      %dma_wait3A_120 = tpu.memref_slice %arg15[%dma_wait3A_118, %dma_wait3A_119] : memref<10240x128xf32, #tpu.memory_space<vmem_shared>> -> memref<10240x128xf32, #tpu.memory_space<vmem_shared>>
      tpu.wait_indirect_dma semaphore(%arg20 : memref<!tpu.dma_semaphore, #tpu.memory_space<semaphore_mem>>) src(%arg13 : memref<128x128xf32, #tpu.memory_space<vmem>>) dst(%dma_wait3A_120 : memref<10240x128xf32, #tpu.memory_space<vmem_shared>>)
      %dma_wait3A_121 = arith.constant 0 : i32
      %dma_wait3A_122 = tpu.memref_slice %arg11[%add3A_96, %dma_wait3A_121] : memref<40x128xi32, #tpu.memory_space<vmem>> -> memref<1x128xi32, #tpu.memory_space<vmem>>
      %dma_wait3A_123 = tpu.memref_squeeze %dma_wait3A_122 : memref<1x128xi32, #tpu.memory_space<vmem>> -> memref<128xi32, #tpu.memory_space<vmem>>
      %dma_wait3A_124 = arith.constant 0 : i32
      %dma_wait3A_125 = tpu.memref_slice %arg16[%dma_wait3A_124] : memref<10240xf32, #tpu.memory_space<vmem_shared>> -> memref<10240xf32, #tpu.memory_space<vmem_shared>>
      tpu.wait_indirect_dma semaphore(%arg22 : memref<!tpu.dma_semaphore, #tpu.memory_space<semaphore_mem>>) src(%arg14 : memref<128xf32, #tpu.memory_space<vmem>>) dst(%dma_wait3A_125 : memref<10240xf32, #tpu.memory_space<vmem_shared>>)
      %add3A_126 = arith.constant 2 : i32
      %add3A_127 = arith.addi %add3A_96, %add3A_126 : i32
      %lt3A_128 = arith.constant 40 : i32
      %lt3A_129 = arith.cmpi slt, %add3A_127, %lt3A_128 : i32
      %convert_element_type3A_130 = arith.extui %lt3A_129 : i1 to i32
      %cond3A_131 = arith.constant 0 : i32
      %cond3A_132 = arith.cmpi ne, %convert_element_type3A_130, %cond3A_131 : i32
      scf.if %cond3A_132 {
        %add3A_133 = arith.constant 2 : i32
        %add3A_134 = arith.addi %add3A_96, %add3A_133 : i32
        %dma_start3A_135 = arith.constant 0 : i32
        %dma_start3A_136 = tpu.memref_slice %arg10[%add3A_134, %dma_start3A_135] : memref<40x128xi32, #tpu.memory_space<vmem>> -> memref<1x128xi32, #tpu.memory_space<vmem>>
        %dma_start3A_137 = tpu.memref_squeeze %dma_start3A_136 : memref<1x128xi32, #tpu.memory_space<vmem>> -> memref<128xi32, #tpu.memory_space<vmem>>
        %dma_start3A_138 = arith.constant 0 : i32
        %dma_start3A_139 = arith.constant 0 : i32
        %dma_start3A_140 = tpu.memref_slice %arg2[%dma_start3A_138, %dma_start3A_139] : memref<10240x128xf32, #tpu.memory_space<hbm>> -> memref<10240x128xf32, #tpu.memory_space<hbm>>
        tpu.enqueue_indirect_dma source(%dma_start3A_140 : memref<10240x128xf32, #tpu.memory_space<hbm>>) target(%arg13 : memref<128x128xf32, #tpu.memory_space<vmem>>) offsets(%dma_start3A_137 : memref<128xi32, #tpu.memory_space<vmem>>) semaphore(%arg18 : memref<!tpu.dma_semaphore, #tpu.memory_space<semaphore_mem>>)
      } else {
      }
    }
    %scan3A_26 = arith.constant 20 : i32
    "tpu.region"() ({
      %run_scoped3A = tpu.sem_alloc : memref<!tpu.dma_semaphore, #tpu.memory_space<semaphore_mem>>
      %dma_start3A_56 = arith.constant 0 : i32
      %dma_start3A_57 = arith.constant 0 : i32
      %dma_start3A_58 = tpu.memref_slice %arg3[%add3A, %dma_start3A_56, %dma_start3A_57] : memref<32x80x128xi32, #tpu.memory_space<hbm>> -> memref<1x80x128xi32, #tpu.memory_space<hbm>>
      %dma_start3A_59 = tpu.memref_squeeze %dma_start3A_58 : memref<1x80x128xi32, #tpu.memory_space<hbm>> -> memref<80x128xi32, #tpu.memory_space<hbm>>
      %dma_start3A_60 = arith.constant 40 : i32
      %dma_start3A_61 = arith.constant 0 : i32
      %dma_start3A_62 = tpu.memref_slice %dma_start3A_59[%dma_start3A_60, %dma_start3A_61] : memref<80x128xi32, #tpu.memory_space<hbm>> -> memref<40x128xi32, #tpu.memory_space<hbm>>
      %dma_start3A_63 = arith.constant 0 : i32
      %dma_start3A_64 = arith.constant 0 : i32
      %dma_start3A_65 = tpu.memref_slice %arg3[%add3A, %dma_start3A_63, %dma_start3A_64] : memref<32x80x128xi32, #tpu.memory_space<hbm>> -> memref<1x80x128xi32, #tpu.memory_space<hbm>>
      %dma_start3A_66 = tpu.memref_squeeze %dma_start3A_65 : memref<1x80x128xi32, #tpu.memory_space<hbm>> -> memref<80x128xi32, #tpu.memory_space<hbm>>
      %dma_start3A_67 = arith.constant 40 : i32
      %dma_start3A_68 = arith.constant 0 : i32
      %dma_start3A_69 = tpu.memref_slice %dma_start3A_66[%dma_start3A_67, %dma_start3A_68] : memref<80x128xi32, #tpu.memory_space<hbm>> -> memref<40x128xi32, #tpu.memory_space<hbm>>
      tpu.enqueue_dma source(%dma_start3A_69 : memref<40x128xi32, #tpu.memory_space<hbm>>) target(%arg10 : memref<40x128xi32, #tpu.memory_space<vmem>>) target_semaphore(%run_scoped3A : memref<!tpu.dma_semaphore, #tpu.memory_space<semaphore_mem>>)
      %dma_wait3A = arith.constant 0 : i32
      %dma_wait3A_70 = arith.constant 0 : i32
      %dma_wait3A_71 = tpu.memref_slice %arg3[%add3A, %dma_wait3A, %dma_wait3A_70] : memref<32x80x128xi32, #tpu.memory_space<hbm>> -> memref<1x80x128xi32, #tpu.memory_space<hbm>>
      %dma_wait3A_72 = tpu.memref_squeeze %dma_wait3A_71 : memref<1x80x128xi32, #tpu.memory_space<hbm>> -> memref<80x128xi32, #tpu.memory_space<hbm>>
      %dma_wait3A_73 = arith.constant 40 : i32
      %dma_wait3A_74 = arith.constant 0 : i32
      %dma_wait3A_75 = tpu.memref_slice %dma_wait3A_72[%dma_wait3A_73, %dma_wait3A_74] : memref<80x128xi32, #tpu.memory_space<hbm>> -> memref<40x128xi32, #tpu.memory_space<hbm>>
      %dma_wait3A_76 = arith.constant 0 : i32
      %dma_wait3A_77 = arith.constant 0 : i32
      %dma_wait3A_78 = tpu.memref_slice %arg3[%add3A, %dma_wait3A_76, %dma_wait3A_77] : memref<32x80x128xi32, #tpu.memory_space<hbm>> -> memref<1x80x128xi32, #tpu.memory_space<hbm>>
      %dma_wait3A_79 = tpu.memref_squeeze %dma_wait3A_78 : memref<1x80x128xi32, #tpu.memory_space<hbm>> -> memref<80x128xi32, #tpu.memory_space<hbm>>
      %dma_wait3A_80 = arith.constant 40 : i32
      %dma_wait3A_81 = arith.constant 0 : i32
      %dma_wait3A_82 = tpu.memref_slice %dma_wait3A_79[%dma_wait3A_80, %dma_wait3A_81] : memref<80x128xi32, #tpu.memory_space<hbm>> -> memref<40x128xi32, #tpu.memory_space<hbm>>
      tpu.wait_dma2 semaphore(%run_scoped3A : memref<!tpu.dma_semaphore, #tpu.memory_space<semaphore_mem>>) src(%dma_wait3A_82 : memref<40x128xi32, #tpu.memory_space<hbm>>) dst(%arg10 : memref<40x128xi32, #tpu.memory_space<vmem>>)
      tpu.yield
    }) : () -> ()
    "tpu.region"() ({
      %run_scoped3A = tpu.sem_alloc : memref<!tpu.dma_semaphore, #tpu.memory_space<semaphore_mem>>
      %dma_start3A_56 = arith.constant 0 : i32
      %dma_start3A_57 = arith.constant 0 : i32
      %dma_start3A_58 = tpu.memref_slice %arg4[%add3A, %dma_start3A_56, %dma_start3A_57] : memref<32x80x128xi32, #tpu.memory_space<hbm>> -> memref<1x80x128xi32, #tpu.memory_space<hbm>>
      %dma_start3A_59 = tpu.memref_squeeze %dma_start3A_58 : memref<1x80x128xi32, #tpu.memory_space<hbm>> -> memref<80x128xi32, #tpu.memory_space<hbm>>
      %dma_start3A_60 = arith.constant 40 : i32
      %dma_start3A_61 = arith.constant 0 : i32
      %dma_start3A_62 = tpu.memref_slice %dma_start3A_59[%dma_start3A_60, %dma_start3A_61] : memref<80x128xi32, #tpu.memory_space<hbm>> -> memref<40x128xi32, #tpu.memory_space<hbm>>
      %dma_start3A_63 = arith.constant 0 : i32
      %dma_start3A_64 = arith.constant 0 : i32
      %dma_start3A_65 = tpu.memref_slice %arg4[%add3A, %dma_start3A_63, %dma_start3A_64] : memref<32x80x128xi32, #tpu.memory_space<hbm>> -> memref<1x80x128xi32, #tpu.memory_space<hbm>>
      %dma_start3A_66 = tpu.memref_squeeze %dma_start3A_65 : memref<1x80x128xi32, #tpu.memory_space<hbm>> -> memref<80x128xi32, #tpu.memory_space<hbm>>
      %dma_start3A_67 = arith.constant 40 : i32
      %dma_start3A_68 = arith.constant 0 : i32
      %dma_start3A_69 = tpu.memref_slice %dma_start3A_66[%dma_start3A_67, %dma_start3A_68] : memref<80x128xi32, #tpu.memory_space<hbm>> -> memref<40x128xi32, #tpu.memory_space<hbm>>
      tpu.enqueue_dma source(%dma_start3A_69 : memref<40x128xi32, #tpu.memory_space<hbm>>) target(%arg11 : memref<40x128xi32, #tpu.memory_space<vmem>>) target_semaphore(%run_scoped3A : memref<!tpu.dma_semaphore, #tpu.memory_space<semaphore_mem>>)
      %dma_wait3A = arith.constant 0 : i32
      %dma_wait3A_70 = arith.constant 0 : i32
      %dma_wait3A_71 = tpu.memref_slice %arg4[%add3A, %dma_wait3A, %dma_wait3A_70] : memref<32x80x128xi32, #tpu.memory_space<hbm>> -> memref<1x80x128xi32, #tpu.memory_space<hbm>>
      %dma_wait3A_72 = tpu.memref_squeeze %dma_wait3A_71 : memref<1x80x128xi32, #tpu.memory_space<hbm>> -> memref<80x128xi32, #tpu.memory_space<hbm>>
      %dma_wait3A_73 = arith.constant 40 : i32
      %dma_wait3A_74 = arith.constant 0 : i32
      %dma_wait3A_75 = tpu.memref_slice %dma_wait3A_72[%dma_wait3A_73, %dma_wait3A_74] : memref<80x128xi32, #tpu.memory_space<hbm>> -> memref<40x128xi32, #tpu.memory_space<hbm>>
      %dma_wait3A_76 = arith.constant 0 : i32
      %dma_wait3A_77 = arith.constant 0 : i32
      %dma_wait3A_78 = tpu.memref_slice %arg4[%add3A, %dma_wait3A_76, %dma_wait3A_77] : memref<32x80x128xi32, #tpu.memory_space<hbm>> -> memref<1x80x128xi32, #tpu.memory_space<hbm>>
      %dma_wait3A_79 = tpu.memref_squeeze %dma_wait3A_78 : memref<1x80x128xi32, #tpu.memory_space<hbm>> -> memref<80x128xi32, #tpu.memory_space<hbm>>
      %dma_wait3A_80 = arith.constant 40 : i32
      %dma_wait3A_81 = arith.constant 0 : i32
      %dma_wait3A_82 = tpu.memref_slice %dma_wait3A_79[%dma_wait3A_80, %dma_wait3A_81] : memref<80x128xi32, #tpu.memory_space<hbm>> -> memref<40x128xi32, #tpu.memory_space<hbm>>
      tpu.wait_dma2 semaphore(%run_scoped3A : memref<!tpu.dma_semaphore, #tpu.memory_space<semaphore_mem>>) src(%dma_wait3A_82 : memref<40x128xi32, #tpu.memory_space<hbm>>) dst(%arg11 : memref<40x128xi32, #tpu.memory_space<vmem>>)
      tpu.yield
    }) : () -> ()
    %dma_start3A_27 = arith.constant 0 : i32
    %dma_start3A_28 = arith.constant 0 : i32
    %dma_start3A_29 = tpu.memref_slice %arg10[%dma_start3A_27, %dma_start3A_28] : memref<40x128xi32, #tpu.memory_space<vmem>> -> memref<1x128xi32, #tpu.memory_space<vmem>>
    %dma_start3A_30 = tpu.memref_squeeze %dma_start3A_29 : memref<1x128xi32, #tpu.memory_space<vmem>> -> memref<128xi32, #tpu.memory_space<vmem>>
    %dma_start3A_31 = arith.constant 0 : i32
    %dma_start3A_32 = arith.constant 0 : i32
    %dma_start3A_33 = tpu.memref_slice %arg2[%dma_start3A_31, %dma_start3A_32] : memref<10240x128xf32, #tpu.memory_space<hbm>> -> memref<10240x128xf32, #tpu.memory_space<hbm>>
    tpu.enqueue_indirect_dma source(%dma_start3A_33 : memref<10240x128xf32, #tpu.memory_space<hbm>>) target(%arg12 : memref<128x128xf32, #tpu.memory_space<vmem>>) offsets(%dma_start3A_30 : memref<128xi32, #tpu.memory_space<vmem>>) semaphore(%arg17 : memref<!tpu.dma_semaphore, #tpu.memory_space<semaphore_mem>>)
    %dma_start3A_34 = arith.constant 1 : i32
    %dma_start3A_35 = arith.constant 0 : i32
    %dma_start3A_36 = tpu.memref_slice %arg10[%dma_start3A_34, %dma_start3A_35] : memref<40x128xi32, #tpu.memory_space<vmem>> -> memref<1x128xi32, #tpu.memory_space<vmem>>
    %dma_start3A_37 = tpu.memref_squeeze %dma_start3A_36 : memref<1x128xi32, #tpu.memory_space<vmem>> -> memref<128xi32, #tpu.memory_space<vmem>>
    %dma_start3A_38 = arith.constant 0 : i32
    %dma_start3A_39 = arith.constant 0 : i32
    %dma_start3A_40 = tpu.memref_slice %arg2[%dma_start3A_38, %dma_start3A_39] : memref<10240x128xf32, #tpu.memory_space<hbm>> -> memref<10240x128xf32, #tpu.memory_space<hbm>>
    tpu.enqueue_indirect_dma source(%dma_start3A_40 : memref<10240x128xf32, #tpu.memory_space<hbm>>) target(%arg13 : memref<128x128xf32, #tpu.memory_space<vmem>>) offsets(%dma_start3A_37 : memref<128xi32, #tpu.memory_space<vmem>>) semaphore(%arg18 : memref<!tpu.dma_semaphore, #tpu.memory_space<semaphore_mem>>)
    %scan3A_41 = arith.constant 0 : i32
    %scan3A_42 = arith.constant 0 : i32
    %scan3A_43 = arith.constant 20 : i32
    %scan3A_44 = arith.addi %scan3A_42, %scan3A_43 : i32
    %scan3A_45 = arith.constant 1 : i32
    scf.for %scan3A_56 = %scan3A_42 to %scan3A_44 step %scan3A_45  : i32 {
      %mul3A_57 = arith.constant 2 : i32
      %mul3A_58 = arith.muli %mul3A_57, %scan3A_56 : i32
      %add3A_59 = arith.constant 0 : i32
      %add3A_60 = arith.addi %mul3A_58, %add3A_59 : i32
      %dma_wait3A = arith.constant 0 : i32
      %dma_wait3A_61 = arith.constant 0 : i32
      %dma_wait3A_62 = tpu.memref_slice %arg10[%dma_wait3A, %dma_wait3A_61] : memref<40x128xi32, #tpu.memory_space<vmem>> -> memref<1x128xi32, #tpu.memory_space<vmem>>
      %dma_wait3A_63 = tpu.memref_squeeze %dma_wait3A_62 : memref<1x128xi32, #tpu.memory_space<vmem>> -> memref<128xi32, #tpu.memory_space<vmem>>
      %dma_wait3A_64 = arith.constant 0 : i32
      %dma_wait3A_65 = arith.constant 0 : i32
      %dma_wait3A_66 = tpu.memref_slice %arg2[%dma_wait3A_64, %dma_wait3A_65] : memref<10240x128xf32, #tpu.memory_space<hbm>> -> memref<10240x128xf32, #tpu.memory_space<hbm>>
      tpu.wait_indirect_dma semaphore(%arg17 : memref<!tpu.dma_semaphore, #tpu.memory_space<semaphore_mem>>) src(%dma_wait3A_66 : memref<10240x128xf32, #tpu.memory_space<hbm>>) dst(%arg12 : memref<128x128xf32, #tpu.memory_space<vmem>>)
      %dma_start3A_67 = arith.constant 0 : i32
      %dma_start3A_68 = tpu.memref_slice %arg11[%add3A_60, %dma_start3A_67] : memref<40x128xi32, #tpu.memory_space<vmem>> -> memref<1x128xi32, #tpu.memory_space<vmem>>
      %dma_start3A_69 = tpu.memref_squeeze %dma_start3A_68 : memref<1x128xi32, #tpu.memory_space<vmem>> -> memref<128xi32, #tpu.memory_space<vmem>>
      %dma_start3A_70 = arith.constant 0 : i32
      %dma_start3A_71 = arith.constant 0 : i32
      %dma_start3A_72 = tpu.memref_slice %arg15[%dma_start3A_70, %dma_start3A_71] : memref<10240x128xf32, #tpu.memory_space<vmem_shared>> -> memref<10240x128xf32, #tpu.memory_space<vmem_shared>>
      tpu.enqueue_indirect_dma source(%arg12 : memref<128x128xf32, #tpu.memory_space<vmem>>) target(%dma_start3A_72 : memref<10240x128xf32, #tpu.memory_space<vmem_shared>>) offsets(%dma_start3A_69 : memref<128xi32, #tpu.memory_space<vmem>>) semaphore(%arg19 : memref<!tpu.dma_semaphore, #tpu.memory_space<semaphore_mem>>) {add = true}
      %dma_start3A_73 = arith.constant 0 : i32
      %dma_start3A_74 = tpu.memref_slice %arg11[%add3A_60, %dma_start3A_73] : memref<40x128xi32, #tpu.memory_space<vmem>> -> memref<1x128xi32, #tpu.memory_space<vmem>>
      %dma_start3A_75 = tpu.memref_squeeze %dma_start3A_74 : memref<1x128xi32, #tpu.memory_space<vmem>> -> memref<128xi32, #tpu.memory_space<vmem>>
      %dma_start3A_76 = arith.constant 0 : i32
      %dma_start3A_77 = tpu.memref_slice %arg16[%dma_start3A_76] : memref<10240xf32, #tpu.memory_space<vmem_shared>> -> memref<10240xf32, #tpu.memory_space<vmem_shared>>
      tpu.enqueue_indirect_dma source(%arg14 : memref<128xf32, #tpu.memory_space<vmem>>) target(%dma_start3A_77 : memref<10240xf32, #tpu.memory_space<vmem_shared>>) offsets(%dma_start3A_75 : memref<128xi32, #tpu.memory_space<vmem>>) semaphore(%arg21 : memref<!tpu.dma_semaphore, #tpu.memory_space<semaphore_mem>>) {add = true}
      %dma_wait3A_78 = arith.constant 0 : i32
      %dma_wait3A_79 = tpu.memref_slice %arg11[%add3A_60, %dma_wait3A_78] : memref<40x128xi32, #tpu.memory_space<vmem>> -> memref<1x128xi32, #tpu.memory_space<vmem>>
      %dma_wait3A_80 = tpu.memref_squeeze %dma_wait3A_79 : memref<1x128xi32, #tpu.memory_space<vmem>> -> memref<128xi32, #tpu.memory_space<vmem>>
      %dma_wait3A_81 = arith.constant 0 : i32
      %dma_wait3A_82 = arith.constant 0 : i32
      %dma_wait3A_83 = tpu.memref_slice %arg15[%dma_wait3A_81, %dma_wait3A_82] : memref<10240x128xf32, #tpu.memory_space<vmem_shared>> -> memref<10240x128xf32, #tpu.memory_space<vmem_shared>>
      tpu.wait_indirect_dma semaphore(%arg19 : memref<!tpu.dma_semaphore, #tpu.memory_space<semaphore_mem>>) src(%arg12 : memref<128x128xf32, #tpu.memory_space<vmem>>) dst(%dma_wait3A_83 : memref<10240x128xf32, #tpu.memory_space<vmem_shared>>)
      %dma_wait3A_84 = arith.constant 0 : i32
      %dma_wait3A_85 = tpu.memref_slice %arg11[%add3A_60, %dma_wait3A_84] : memref<40x128xi32, #tpu.memory_space<vmem>> -> memref<1x128xi32, #tpu.memory_space<vmem>>
      %dma_wait3A_86 = tpu.memref_squeeze %dma_wait3A_85 : memref<1x128xi32, #tpu.memory_space<vmem>> -> memref<128xi32, #tpu.memory_space<vmem>>
      %dma_wait3A_87 = arith.constant 0 : i32
      %dma_wait3A_88 = tpu.memref_slice %arg16[%dma_wait3A_87] : memref<10240xf32, #tpu.memory_space<vmem_shared>> -> memref<10240xf32, #tpu.memory_space<vmem_shared>>
      tpu.wait_indirect_dma semaphore(%arg21 : memref<!tpu.dma_semaphore, #tpu.memory_space<semaphore_mem>>) src(%arg14 : memref<128xf32, #tpu.memory_space<vmem>>) dst(%dma_wait3A_88 : memref<10240xf32, #tpu.memory_space<vmem_shared>>)
      %add3A_89 = arith.constant 2 : i32
      %add3A_90 = arith.addi %add3A_60, %add3A_89 : i32
      %lt3A = arith.constant 40 : i32
      %lt3A_91 = arith.cmpi slt, %add3A_90, %lt3A : i32
      %convert_element_type3A = arith.extui %lt3A_91 : i1 to i32
      %cond3A = arith.constant 0 : i32
      %cond3A_92 = arith.cmpi ne, %convert_element_type3A, %cond3A : i32
      scf.if %cond3A_92 {
        %add3A_133 = arith.constant 2 : i32
        %add3A_134 = arith.addi %add3A_60, %add3A_133 : i32
        %dma_start3A_135 = arith.constant 0 : i32
        %dma_start3A_136 = tpu.memref_slice %arg10[%add3A_134, %dma_start3A_135] : memref<40x128xi32, #tpu.memory_space<vmem>> -> memref<1x128xi32, #tpu.memory_space<vmem>>
        %dma_start3A_137 = tpu.memref_squeeze %dma_start3A_136 : memref<1x128xi32, #tpu.memory_space<vmem>> -> memref<128xi32, #tpu.memory_space<vmem>>
        %dma_start3A_138 = arith.constant 0 : i32
        %dma_start3A_139 = arith.constant 0 : i32
        %dma_start3A_140 = tpu.memref_slice %arg2[%dma_start3A_138, %dma_start3A_139] : memref<10240x128xf32, #tpu.memory_space<hbm>> -> memref<10240x128xf32, #tpu.memory_space<hbm>>
        tpu.enqueue_indirect_dma source(%dma_start3A_140 : memref<10240x128xf32, #tpu.memory_space<hbm>>) target(%arg12 : memref<128x128xf32, #tpu.memory_space<vmem>>) offsets(%dma_start3A_137 : memref<128xi32, #tpu.memory_space<vmem>>) semaphore(%arg17 : memref<!tpu.dma_semaphore, #tpu.memory_space<semaphore_mem>>)
      } else {
      }
      %mul3A_93 = arith.constant 2 : i32
      %mul3A_94 = arith.muli %mul3A_93, %scan3A_56 : i32
      %add3A_95 = arith.constant 1 : i32
      %add3A_96 = arith.addi %mul3A_94, %add3A_95 : i32
      %dma_wait3A_97 = arith.constant 0 : i32
      %dma_wait3A_98 = arith.constant 0 : i32
      %dma_wait3A_99 = tpu.memref_slice %arg10[%dma_wait3A_97, %dma_wait3A_98] : memref<40x128xi32, #tpu.memory_space<vmem>> -> memref<1x128xi32, #tpu.memory_space<vmem>>
      %dma_wait3A_100 = tpu.memref_squeeze %dma_wait3A_99 : memref<1x128xi32, #tpu.memory_space<vmem>> -> memref<128xi32, #tpu.memory_space<vmem>>
      %dma_wait3A_101 = arith.constant 0 : i32
      %dma_wait3A_102 = arith.constant 0 : i32
      %dma_wait3A_103 = tpu.memref_slice %arg2[%dma_wait3A_101, %dma_wait3A_102] : memref<10240x128xf32, #tpu.memory_space<hbm>> -> memref<10240x128xf32, #tpu.memory_space<hbm>>
      tpu.wait_indirect_dma semaphore(%arg18 : memref<!tpu.dma_semaphore, #tpu.memory_space<semaphore_mem>>) src(%dma_wait3A_103 : memref<10240x128xf32, #tpu.memory_space<hbm>>) dst(%arg13 : memref<128x128xf32, #tpu.memory_space<vmem>>)
      %dma_start3A_104 = arith.constant 0 : i32
      %dma_start3A_105 = tpu.memref_slice %arg11[%add3A_96, %dma_start3A_104] : memref<40x128xi32, #tpu.memory_space<vmem>> -> memref<1x128xi32, #tpu.memory_space<vmem>>
      %dma_start3A_106 = tpu.memref_squeeze %dma_start3A_105 : memref<1x128xi32, #tpu.memory_space<vmem>> -> memref<128xi32, #tpu.memory_space<vmem>>
      %dma_start3A_107 = arith.constant 0 : i32
      %dma_start3A_108 = arith.constant 0 : i32
      %dma_start3A_109 = tpu.memref_slice %arg15[%dma_start3A_107, %dma_start3A_108] : memref<10240x128xf32, #tpu.memory_space<vmem_shared>> -> memref<10240x128xf32, #tpu.memory_space<vmem_shared>>
      tpu.enqueue_indirect_dma source(%arg13 : memref<128x128xf32, #tpu.memory_space<vmem>>) target(%dma_start3A_109 : memref<10240x128xf32, #tpu.memory_space<vmem_shared>>) offsets(%dma_start3A_106 : memref<128xi32, #tpu.memory_space<vmem>>) semaphore(%arg20 : memref<!tpu.dma_semaphore, #tpu.memory_space<semaphore_mem>>) {add = true}
      %dma_start3A_110 = arith.constant 0 : i32
      %dma_start3A_111 = tpu.memref_slice %arg11[%add3A_96, %dma_start3A_110] : memref<40x128xi32, #tpu.memory_space<vmem>> -> memref<1x128xi32, #tpu.memory_space<vmem>>
      %dma_start3A_112 = tpu.memref_squeeze %dma_start3A_111 : memref<1x128xi32, #tpu.memory_space<vmem>> -> memref<128xi32, #tpu.memory_space<vmem>>
      %dma_start3A_113 = arith.constant 0 : i32
      %dma_start3A_114 = tpu.memref_slice %arg16[%dma_start3A_113] : memref<10240xf32, #tpu.memory_space<vmem_shared>> -> memref<10240xf32, #tpu.memory_space<vmem_shared>>
      tpu.enqueue_indirect_dma source(%arg14 : memref<128xf32, #tpu.memory_space<vmem>>) target(%dma_start3A_114 : memref<10240xf32, #tpu.memory_space<vmem_shared>>) offsets(%dma_start3A_112 : memref<128xi32, #tpu.memory_space<vmem>>) semaphore(%arg22 : memref<!tpu.dma_semaphore, #tpu.memory_space<semaphore_mem>>) {add = true}
      %dma_wait3A_115 = arith.constant 0 : i32
      %dma_wait3A_116 = tpu.memref_slice %arg11[%add3A_96, %dma_wait3A_115] : memref<40x128xi32, #tpu.memory_space<vmem>> -> memref<1x128xi32, #tpu.memory_space<vmem>>
      %dma_wait3A_117 = tpu.memref_squeeze %dma_wait3A_116 : memref<1x128xi32, #tpu.memory_space<vmem>> -> memref<128xi32, #tpu.memory_space<vmem>>
      %dma_wait3A_118 = arith.constant 0 : i32
      %dma_wait3A_119 = arith.constant 0 : i32
      %dma_wait3A_120 = tpu.memref_slice %arg15[%dma_wait3A_118, %dma_wait3A_119] : memref<10240x128xf32, #tpu.memory_space<vmem_shared>> -> memref<10240x128xf32, #tpu.memory_space<vmem_shared>>
      tpu.wait_indirect_dma semaphore(%arg20 : memref<!tpu.dma_semaphore, #tpu.memory_space<semaphore_mem>>) src(%arg13 : memref<128x128xf32, #tpu.memory_space<vmem>>) dst(%dma_wait3A_120 : memref<10240x128xf32, #tpu.memory_space<vmem_shared>>)
      %dma_wait3A_121 = arith.constant 0 : i32
      %dma_wait3A_122 = tpu.memref_slice %arg11[%add3A_96, %dma_wait3A_121] : memref<40x128xi32, #tpu.memory_space<vmem>> -> memref<1x128xi32, #tpu.memory_space<vmem>>
      %dma_wait3A_123 = tpu.memref_squeeze %dma_wait3A_122 : memref<1x128xi32, #tpu.memory_space<vmem>> -> memref<128xi32, #tpu.memory_space<vmem>>
      %dma_wait3A_124 = arith.constant 0 : i32
      %dma_wait3A_125 = tpu.memref_slice %arg16[%dma_wait3A_124] : memref<10240xf32, #tpu.memory_space<vmem_shared>> -> memref<10240xf32, #tpu.memory_space<vmem_shared>>
      tpu.wait_indirect_dma semaphore(%arg22 : memref<!tpu.dma_semaphore, #tpu.memory_space<semaphore_mem>>) src(%arg14 : memref<128xf32, #tpu.memory_space<vmem>>) dst(%dma_wait3A_125 : memref<10240xf32, #tpu.memory_space<vmem_shared>>)
      %add3A_126 = arith.constant 2 : i32
      %add3A_127 = arith.addi %add3A_96, %add3A_126 : i32
      %lt3A_128 = arith.constant 40 : i32
      %lt3A_129 = arith.cmpi slt, %add3A_127, %lt3A_128 : i32
      %convert_element_type3A_130 = arith.extui %lt3A_129 : i1 to i32
      %cond3A_131 = arith.constant 0 : i32
      %cond3A_132 = arith.cmpi ne, %convert_element_type3A_130, %cond3A_131 : i32
      scf.if %cond3A_132 {
        %add3A_133 = arith.constant 2 : i32
        %add3A_134 = arith.addi %add3A_96, %add3A_133 : i32
        %dma_start3A_135 = arith.constant 0 : i32
        %dma_start3A_136 = tpu.memref_slice %arg10[%add3A_134, %dma_start3A_135] : memref<40x128xi32, #tpu.memory_space<vmem>> -> memref<1x128xi32, #tpu.memory_space<vmem>>
        %dma_start3A_137 = tpu.memref_squeeze %dma_start3A_136 : memref<1x128xi32, #tpu.memory_space<vmem>> -> memref<128xi32, #tpu.memory_space<vmem>>
        %dma_start3A_138 = arith.constant 0 : i32
        %dma_start3A_139 = arith.constant 0 : i32
        %dma_start3A_140 = tpu.memref_slice %arg2[%dma_start3A_138, %dma_start3A_139] : memref<10240x128xf32, #tpu.memory_space<hbm>> -> memref<10240x128xf32, #tpu.memory_space<hbm>>
        tpu.enqueue_indirect_dma source(%dma_start3A_140 : memref<10240x128xf32, #tpu.memory_space<hbm>>) target(%arg13 : memref<128x128xf32, #tpu.memory_space<vmem>>) offsets(%dma_start3A_137 : memref<128xi32, #tpu.memory_space<vmem>>) semaphore(%arg18 : memref<!tpu.dma_semaphore, #tpu.memory_space<semaphore_mem>>)
      } else {
      }
    }
    %scan3A_46 = arith.constant 20 : i32
    %barrier3A_47 = arith.constant 0 : index
    tpu.barrier barrier_id(%barrier3A_47)
    %mul3A_48 = arith.constant 640 : i32
    %mul3A_49 = arith.muli %arg1, %mul3A_48 : i32
    %mul3A_50 = arith.constant 640 : i32
    %mul3A_51 = arith.muli %arg1, %mul3A_50 : i32
    "tpu.region"() ({
      %run_scoped3A = tpu.sem_alloc : memref<!tpu.dma_semaphore, #tpu.memory_space<semaphore_mem>>
      %dma_start3A_56 = arith.constant 0 : i32
      %dma_start3A_57 = arith.constant 0 : i32
      %dma_start3A_58 = tpu.memref_slice %arg8[%arg0, %dma_start3A_56, %dma_start3A_57] : memref<2x10240x128xf32, #tpu.memory_space<hbm>> -> memref<1x10240x128xf32, #tpu.memory_space<hbm>>
      %dma_start3A_59 = tpu.memref_squeeze %dma_start3A_58 : memref<1x10240x128xf32, #tpu.memory_space<hbm>> -> memref<10240x128xf32, #tpu.memory_space<hbm>>
      %dma_start3A_60 = arith.constant 0 : i32
      %dma_start3A_61 = tpu.memref_slice %dma_start3A_59[%mul3A_51, %dma_start3A_60] : memref<10240x128xf32, #tpu.memory_space<hbm>> -> memref<640x128xf32, #tpu.memory_space<hbm>>
      %dma_start3A_62 = arith.constant 0 : i32
      %dma_start3A_63 = tpu.memref_slice %arg15[%mul3A_49, %dma_start3A_62] : memref<10240x128xf32, #tpu.memory_space<vmem_shared>> -> memref<640x128xf32, #tpu.memory_space<vmem_shared>>
      tpu.enqueue_dma source(%dma_start3A_63 : memref<640x128xf32, #tpu.memory_space<vmem_shared>>) target(%dma_start3A_61 : memref<640x128xf32, #tpu.memory_space<hbm>>) target_semaphore(%run_scoped3A : memref<!tpu.dma_semaphore, #tpu.memory_space<semaphore_mem>>)
      %dma_wait3A = arith.constant 0 : i32
      %dma_wait3A_64 = arith.constant 0 : i32
      %dma_wait3A_65 = tpu.memref_slice %arg8[%arg0, %dma_wait3A, %dma_wait3A_64] : memref<2x10240x128xf32, #tpu.memory_space<hbm>> -> memref<1x10240x128xf32, #tpu.memory_space<hbm>>
      %dma_wait3A_66 = tpu.memref_squeeze %dma_wait3A_65 : memref<1x10240x128xf32, #tpu.memory_space<hbm>> -> memref<10240x128xf32, #tpu.memory_space<hbm>>
      %dma_wait3A_67 = arith.constant 0 : i32
      %dma_wait3A_68 = tpu.memref_slice %dma_wait3A_66[%mul3A_51, %dma_wait3A_67] : memref<10240x128xf32, #tpu.memory_space<hbm>> -> memref<640x128xf32, #tpu.memory_space<hbm>>
      %dma_wait3A_69 = arith.constant 0 : i32
      %dma_wait3A_70 = tpu.memref_slice %arg15[%mul3A_49, %dma_wait3A_69] : memref<10240x128xf32, #tpu.memory_space<vmem_shared>> -> memref<640x128xf32, #tpu.memory_space<vmem_shared>>
      tpu.wait_dma2 semaphore(%run_scoped3A : memref<!tpu.dma_semaphore, #tpu.memory_space<semaphore_mem>>) src(%dma_wait3A_70 : memref<640x128xf32, #tpu.memory_space<vmem_shared>>) dst(%dma_wait3A_68 : memref<640x128xf32, #tpu.memory_space<hbm>>)
      tpu.yield
    }) : () -> ()
    %mul3A_52 = arith.constant 640 : i32
    %mul3A_53 = arith.muli %arg1, %mul3A_52 : i32
    %mul3A_54 = arith.constant 640 : i32
    %mul3A_55 = arith.muli %arg1, %mul3A_54 : i32
    "tpu.region"() ({
      %run_scoped3A = tpu.sem_alloc : memref<!tpu.dma_semaphore, #tpu.memory_space<semaphore_mem>>
      %dma_start3A_56 = arith.constant 0 : i32
      %dma_start3A_57 = tpu.memref_slice %arg9[%arg0, %dma_start3A_56] : memref<2x10240xf32, #tpu.memory_space<hbm>> -> memref<1x10240xf32, #tpu.memory_space<hbm>>
      %dma_start3A_58 = tpu.memref_squeeze %dma_start3A_57 : memref<1x10240xf32, #tpu.memory_space<hbm>> -> memref<10240xf32, #tpu.memory_space<hbm>>
      %dma_start3A_59 = tpu.memref_slice %dma_start3A_58[%mul3A_55] : memref<10240xf32, #tpu.memory_space<hbm>> -> memref<640xf32, #tpu.memory_space<hbm>>
      %dma_start3A_60 = tpu.memref_slice %arg16[%mul3A_53] : memref<10240xf32, #tpu.memory_space<vmem_shared>> -> memref<640xf32, #tpu.memory_space<vmem_shared>>
      tpu.enqueue_dma source(%dma_start3A_60 : memref<640xf32, #tpu.memory_space<vmem_shared>>) target(%dma_start3A_59 : memref<640xf32, #tpu.memory_space<hbm>>) target_semaphore(%run_scoped3A : memref<!tpu.dma_semaphore, #tpu.memory_space<semaphore_mem>>)
      %dma_wait3A = arith.constant 0 : i32
      %dma_wait3A_61 = tpu.memref_slice %arg9[%arg0, %dma_wait3A] : memref<2x10240xf32, #tpu.memory_space<hbm>> -> memref<1x10240xf32, #tpu.memory_space<hbm>>
      %dma_wait3A_62 = tpu.memref_squeeze %dma_wait3A_61 : memref<1x10240xf32, #tpu.memory_space<hbm>> -> memref<10240xf32, #tpu.memory_space<hbm>>
      %dma_wait3A_63 = tpu.memref_slice %dma_wait3A_62[%mul3A_55] : memref<10240xf32, #tpu.memory_space<hbm>> -> memref<640xf32, #tpu.memory_space<hbm>>
      %dma_wait3A_64 = tpu.memref_slice %arg16[%mul3A_53] : memref<10240xf32, #tpu.memory_space<vmem_shared>> -> memref<640xf32, #tpu.memory_space<vmem_shared>>
      tpu.wait_dma2 semaphore(%run_scoped3A : memref<!tpu.dma_semaphore, #tpu.memory_space<semaphore_mem>>) src(%dma_wait3A_64 : memref<640xf32, #tpu.memory_space<vmem_shared>>) dst(%dma_wait3A_63 : memref<640xf32, #tpu.memory_space<hbm>>)
      tpu.yield
    }) : () -> ()
    return
  }
}

#map = affine_map<(d0, d1) -> (0, 0)>
#map1 = affine_map<(d0, d1) -> (0, 0, 0)>
module attributes {stable_mosaic.version = 14 : i64} {
  func.func @_sc_agg_body(%arg0: i32, %arg1: i32, %arg2: memref<10240x128xf32, #tpu.memory_space<hbm>>, %arg3: memref<32x80x128xi32, #tpu.memory_space<hbm>>, %arg4: memref<32x80x128xi32, #tpu.memory_space<hbm>>, %arg5: memref<10240x128xf32, #tpu.memory_space<hbm>>, %arg6: memref<2x10240x128xf32, #tpu.memory_space<hbm>>, %arg7: memref<40x128xi32, #tpu.memory_space<vmem>>, %arg8: memref<40x128xi32, #tpu.memory_space<vmem>>, %arg9: memref<128x128xf32, #tpu.memory_space<vmem>>, %arg10: memref<128x128xf32, #tpu.memory_space<vmem>>, %arg11: memref<10240x128xf32, #tpu.memory_space<vmem_shared>>, %arg12: memref<!tpu.dma_semaphore, #tpu.memory_space<semaphore_mem>>, %arg13: memref<!tpu.dma_semaphore, #tpu.memory_space<semaphore_mem>>, %arg14: memref<!tpu.dma_semaphore, #tpu.memory_space<semaphore_mem>>, %arg15: memref<!tpu.dma_semaphore, #tpu.memory_space<semaphore_mem>>) attributes {dimension_semantics = [#tpu.dimension_semantics<core_parallel>, #tpu.dimension_semantics<subcore_parallel>], iteration_bounds = array<i64: 2, 16>, scalar_prefetch = 0 : i64, scratch_operands = 9 : i64, tpu.core_type = #tpu.core_type<sc_vector_subcore>, window_params = [{transform_indices = #map}, {transform_indices = #map1}, {transform_indices = #map1}, {transform_indices = #map}, {transform_indices = #map1}]} {
    %mul3A = arith.constant 2 : i32
    %mul3A_0 = arith.muli %arg1, %mul3A : i32
    %add3A = arith.addi %mul3A_0, %arg0 : i32
    %mul3A_1 = arith.constant 640 : i32
    %mul3A_2 = arith.muli %arg1, %mul3A_1 : i32
    %mul3A_3 = arith.constant 640 : i32
    %mul3A_4 = arith.muli %arg1, %mul3A_3 : i32
    "tpu.region"() ({
      %run_scoped3A = tpu.sem_alloc : memref<!tpu.dma_semaphore, #tpu.memory_space<semaphore_mem>>
      %dma_start3A_48 = arith.constant 0 : i32
      %dma_start3A_49 = tpu.memref_slice %arg11[%mul3A_4, %dma_start3A_48] : memref<10240x128xf32, #tpu.memory_space<vmem_shared>> -> memref<640x128xf32, #tpu.memory_space<vmem_shared>>
      %dma_start3A_50 = arith.constant 0 : i32
      %dma_start3A_51 = tpu.memref_slice %arg5[%mul3A_2, %dma_start3A_50] : memref<10240x128xf32, #tpu.memory_space<hbm>> -> memref<640x128xf32, #tpu.memory_space<hbm>>
      tpu.enqueue_dma source(%dma_start3A_51 : memref<640x128xf32, #tpu.memory_space<hbm>>) target(%dma_start3A_49 : memref<640x128xf32, #tpu.memory_space<vmem_shared>>) target_semaphore(%run_scoped3A : memref<!tpu.dma_semaphore, #tpu.memory_space<semaphore_mem>>)
      %dma_wait3A = arith.constant 0 : i32
      %dma_wait3A_52 = tpu.memref_slice %arg11[%mul3A_4, %dma_wait3A] : memref<10240x128xf32, #tpu.memory_space<vmem_shared>> -> memref<640x128xf32, #tpu.memory_space<vmem_shared>>
      %dma_wait3A_53 = arith.constant 0 : i32
      %dma_wait3A_54 = tpu.memref_slice %arg5[%mul3A_2, %dma_wait3A_53] : memref<10240x128xf32, #tpu.memory_space<hbm>> -> memref<640x128xf32, #tpu.memory_space<hbm>>
      tpu.wait_dma2 semaphore(%run_scoped3A : memref<!tpu.dma_semaphore, #tpu.memory_space<semaphore_mem>>) src(%dma_wait3A_54 : memref<640x128xf32, #tpu.memory_space<hbm>>) dst(%dma_wait3A_52 : memref<640x128xf32, #tpu.memory_space<vmem_shared>>)
      tpu.yield
    }) : () -> ()
    %barrier3A = arith.constant 0 : index
    tpu.barrier barrier_id(%barrier3A)
    "tpu.region"() ({
      %run_scoped3A = tpu.sem_alloc : memref<!tpu.dma_semaphore, #tpu.memory_space<semaphore_mem>>
      %dma_start3A_48 = arith.constant 0 : i32
      %dma_start3A_49 = arith.constant 0 : i32
      %dma_start3A_50 = tpu.memref_slice %arg3[%add3A, %dma_start3A_48, %dma_start3A_49] : memref<32x80x128xi32, #tpu.memory_space<hbm>> -> memref<1x80x128xi32, #tpu.memory_space<hbm>>
      %dma_start3A_51 = tpu.memref_squeeze %dma_start3A_50 : memref<1x80x128xi32, #tpu.memory_space<hbm>> -> memref<80x128xi32, #tpu.memory_space<hbm>>
      %dma_start3A_52 = arith.constant 0 : i32
      %dma_start3A_53 = arith.constant 0 : i32
      %dma_start3A_54 = tpu.memref_slice %dma_start3A_51[%dma_start3A_52, %dma_start3A_53] : memref<80x128xi32, #tpu.memory_space<hbm>> -> memref<40x128xi32, #tpu.memory_space<hbm>>
      %dma_start3A_55 = arith.constant 0 : i32
      %dma_start3A_56 = arith.constant 0 : i32
      %dma_start3A_57 = tpu.memref_slice %arg3[%add3A, %dma_start3A_55, %dma_start3A_56] : memref<32x80x128xi32, #tpu.memory_space<hbm>> -> memref<1x80x128xi32, #tpu.memory_space<hbm>>
      %dma_start3A_58 = tpu.memref_squeeze %dma_start3A_57 : memref<1x80x128xi32, #tpu.memory_space<hbm>> -> memref<80x128xi32, #tpu.memory_space<hbm>>
      %dma_start3A_59 = arith.constant 0 : i32
      %dma_start3A_60 = arith.constant 0 : i32
      %dma_start3A_61 = tpu.memref_slice %dma_start3A_58[%dma_start3A_59, %dma_start3A_60] : memref<80x128xi32, #tpu.memory_space<hbm>> -> memref<40x128xi32, #tpu.memory_space<hbm>>
      tpu.enqueue_dma source(%dma_start3A_61 : memref<40x128xi32, #tpu.memory_space<hbm>>) target(%arg7 : memref<40x128xi32, #tpu.memory_space<vmem>>) target_semaphore(%run_scoped3A : memref<!tpu.dma_semaphore, #tpu.memory_space<semaphore_mem>>)
      %dma_wait3A = arith.constant 0 : i32
      %dma_wait3A_62 = arith.constant 0 : i32
      %dma_wait3A_63 = tpu.memref_slice %arg3[%add3A, %dma_wait3A, %dma_wait3A_62] : memref<32x80x128xi32, #tpu.memory_space<hbm>> -> memref<1x80x128xi32, #tpu.memory_space<hbm>>
      %dma_wait3A_64 = tpu.memref_squeeze %dma_wait3A_63 : memref<1x80x128xi32, #tpu.memory_space<hbm>> -> memref<80x128xi32, #tpu.memory_space<hbm>>
      %dma_wait3A_65 = arith.constant 0 : i32
      %dma_wait3A_66 = arith.constant 0 : i32
      %dma_wait3A_67 = tpu.memref_slice %dma_wait3A_64[%dma_wait3A_65, %dma_wait3A_66] : memref<80x128xi32, #tpu.memory_space<hbm>> -> memref<40x128xi32, #tpu.memory_space<hbm>>
      %dma_wait3A_68 = arith.constant 0 : i32
      %dma_wait3A_69 = arith.constant 0 : i32
      %dma_wait3A_70 = tpu.memref_slice %arg3[%add3A, %dma_wait3A_68, %dma_wait3A_69] : memref<32x80x128xi32, #tpu.memory_space<hbm>> -> memref<1x80x128xi32, #tpu.memory_space<hbm>>
      %dma_wait3A_71 = tpu.memref_squeeze %dma_wait3A_70 : memref<1x80x128xi32, #tpu.memory_space<hbm>> -> memref<80x128xi32, #tpu.memory_space<hbm>>
      %dma_wait3A_72 = arith.constant 0 : i32
      %dma_wait3A_73 = arith.constant 0 : i32
      %dma_wait3A_74 = tpu.memref_slice %dma_wait3A_71[%dma_wait3A_72, %dma_wait3A_73] : memref<80x128xi32, #tpu.memory_space<hbm>> -> memref<40x128xi32, #tpu.memory_space<hbm>>
      tpu.wait_dma2 semaphore(%run_scoped3A : memref<!tpu.dma_semaphore, #tpu.memory_space<semaphore_mem>>) src(%dma_wait3A_74 : memref<40x128xi32, #tpu.memory_space<hbm>>) dst(%arg7 : memref<40x128xi32, #tpu.memory_space<vmem>>)
      tpu.yield
    }) : () -> ()
    "tpu.region"() ({
      %run_scoped3A = tpu.sem_alloc : memref<!tpu.dma_semaphore, #tpu.memory_space<semaphore_mem>>
      %dma_start3A_48 = arith.constant 0 : i32
      %dma_start3A_49 = arith.constant 0 : i32
      %dma_start3A_50 = tpu.memref_slice %arg4[%add3A, %dma_start3A_48, %dma_start3A_49] : memref<32x80x128xi32, #tpu.memory_space<hbm>> -> memref<1x80x128xi32, #tpu.memory_space<hbm>>
      %dma_start3A_51 = tpu.memref_squeeze %dma_start3A_50 : memref<1x80x128xi32, #tpu.memory_space<hbm>> -> memref<80x128xi32, #tpu.memory_space<hbm>>
      %dma_start3A_52 = arith.constant 0 : i32
      %dma_start3A_53 = arith.constant 0 : i32
      %dma_start3A_54 = tpu.memref_slice %dma_start3A_51[%dma_start3A_52, %dma_start3A_53] : memref<80x128xi32, #tpu.memory_space<hbm>> -> memref<40x128xi32, #tpu.memory_space<hbm>>
      %dma_start3A_55 = arith.constant 0 : i32
      %dma_start3A_56 = arith.constant 0 : i32
      %dma_start3A_57 = tpu.memref_slice %arg4[%add3A, %dma_start3A_55, %dma_start3A_56] : memref<32x80x128xi32, #tpu.memory_space<hbm>> -> memref<1x80x128xi32, #tpu.memory_space<hbm>>
      %dma_start3A_58 = tpu.memref_squeeze %dma_start3A_57 : memref<1x80x128xi32, #tpu.memory_space<hbm>> -> memref<80x128xi32, #tpu.memory_space<hbm>>
      %dma_start3A_59 = arith.constant 0 : i32
      %dma_start3A_60 = arith.constant 0 : i32
      %dma_start3A_61 = tpu.memref_slice %dma_start3A_58[%dma_start3A_59, %dma_start3A_60] : memref<80x128xi32, #tpu.memory_space<hbm>> -> memref<40x128xi32, #tpu.memory_space<hbm>>
      tpu.enqueue_dma source(%dma_start3A_61 : memref<40x128xi32, #tpu.memory_space<hbm>>) target(%arg8 : memref<40x128xi32, #tpu.memory_space<vmem>>) target_semaphore(%run_scoped3A : memref<!tpu.dma_semaphore, #tpu.memory_space<semaphore_mem>>)
      %dma_wait3A = arith.constant 0 : i32
      %dma_wait3A_62 = arith.constant 0 : i32
      %dma_wait3A_63 = tpu.memref_slice %arg4[%add3A, %dma_wait3A, %dma_wait3A_62] : memref<32x80x128xi32, #tpu.memory_space<hbm>> -> memref<1x80x128xi32, #tpu.memory_space<hbm>>
      %dma_wait3A_64 = tpu.memref_squeeze %dma_wait3A_63 : memref<1x80x128xi32, #tpu.memory_space<hbm>> -> memref<80x128xi32, #tpu.memory_space<hbm>>
      %dma_wait3A_65 = arith.constant 0 : i32
      %dma_wait3A_66 = arith.constant 0 : i32
      %dma_wait3A_67 = tpu.memref_slice %dma_wait3A_64[%dma_wait3A_65, %dma_wait3A_66] : memref<80x128xi32, #tpu.memory_space<hbm>> -> memref<40x128xi32, #tpu.memory_space<hbm>>
      %dma_wait3A_68 = arith.constant 0 : i32
      %dma_wait3A_69 = arith.constant 0 : i32
      %dma_wait3A_70 = tpu.memref_slice %arg4[%add3A, %dma_wait3A_68, %dma_wait3A_69] : memref<32x80x128xi32, #tpu.memory_space<hbm>> -> memref<1x80x128xi32, #tpu.memory_space<hbm>>
      %dma_wait3A_71 = tpu.memref_squeeze %dma_wait3A_70 : memref<1x80x128xi32, #tpu.memory_space<hbm>> -> memref<80x128xi32, #tpu.memory_space<hbm>>
      %dma_wait3A_72 = arith.constant 0 : i32
      %dma_wait3A_73 = arith.constant 0 : i32
      %dma_wait3A_74 = tpu.memref_slice %dma_wait3A_71[%dma_wait3A_72, %dma_wait3A_73] : memref<80x128xi32, #tpu.memory_space<hbm>> -> memref<40x128xi32, #tpu.memory_space<hbm>>
      tpu.wait_dma2 semaphore(%run_scoped3A : memref<!tpu.dma_semaphore, #tpu.memory_space<semaphore_mem>>) src(%dma_wait3A_74 : memref<40x128xi32, #tpu.memory_space<hbm>>) dst(%arg8 : memref<40x128xi32, #tpu.memory_space<vmem>>)
      tpu.yield
    }) : () -> ()
    %dma_start3A = arith.constant 0 : i32
    %dma_start3A_5 = arith.constant 0 : i32
    %dma_start3A_6 = tpu.memref_slice %arg7[%dma_start3A, %dma_start3A_5] : memref<40x128xi32, #tpu.memory_space<vmem>> -> memref<1x128xi32, #tpu.memory_space<vmem>>
    %dma_start3A_7 = tpu.memref_squeeze %dma_start3A_6 : memref<1x128xi32, #tpu.memory_space<vmem>> -> memref<128xi32, #tpu.memory_space<vmem>>
    %dma_start3A_8 = arith.constant 0 : i32
    %dma_start3A_9 = arith.constant 0 : i32
    %dma_start3A_10 = tpu.memref_slice %arg2[%dma_start3A_8, %dma_start3A_9] : memref<10240x128xf32, #tpu.memory_space<hbm>> -> memref<10240x128xf32, #tpu.memory_space<hbm>>
    tpu.enqueue_indirect_dma source(%dma_start3A_10 : memref<10240x128xf32, #tpu.memory_space<hbm>>) target(%arg9 : memref<128x128xf32, #tpu.memory_space<vmem>>) offsets(%dma_start3A_7 : memref<128xi32, #tpu.memory_space<vmem>>) semaphore(%arg12 : memref<!tpu.dma_semaphore, #tpu.memory_space<semaphore_mem>>)
    %dma_start3A_11 = arith.constant 1 : i32
    %dma_start3A_12 = arith.constant 0 : i32
    %dma_start3A_13 = tpu.memref_slice %arg7[%dma_start3A_11, %dma_start3A_12] : memref<40x128xi32, #tpu.memory_space<vmem>> -> memref<1x128xi32, #tpu.memory_space<vmem>>
    %dma_start3A_14 = tpu.memref_squeeze %dma_start3A_13 : memref<1x128xi32, #tpu.memory_space<vmem>> -> memref<128xi32, #tpu.memory_space<vmem>>
    %dma_start3A_15 = arith.constant 0 : i32
    %dma_start3A_16 = arith.constant 0 : i32
    %dma_start3A_17 = tpu.memref_slice %arg2[%dma_start3A_15, %dma_start3A_16] : memref<10240x128xf32, #tpu.memory_space<hbm>> -> memref<10240x128xf32, #tpu.memory_space<hbm>>
    tpu.enqueue_indirect_dma source(%dma_start3A_17 : memref<10240x128xf32, #tpu.memory_space<hbm>>) target(%arg10 : memref<128x128xf32, #tpu.memory_space<vmem>>) offsets(%dma_start3A_14 : memref<128xi32, #tpu.memory_space<vmem>>) semaphore(%arg13 : memref<!tpu.dma_semaphore, #tpu.memory_space<semaphore_mem>>)
    %scan3A = arith.constant 0 : i32
    %scan3A_18 = arith.constant 0 : i32
    %scan3A_19 = arith.constant 20 : i32
    %scan3A_20 = arith.addi %scan3A_18, %scan3A_19 : i32
    %scan3A_21 = arith.constant 1 : i32
    scf.for %scan3A_48 = %scan3A_18 to %scan3A_20 step %scan3A_21  : i32 {
      %mul3A_49 = arith.constant 2 : i32
      %mul3A_50 = arith.muli %mul3A_49, %scan3A_48 : i32
      %add3A_51 = arith.constant 0 : i32
      %add3A_52 = arith.addi %mul3A_50, %add3A_51 : i32
      %dma_wait3A = arith.constant 0 : i32
      %dma_wait3A_53 = arith.constant 0 : i32
      %dma_wait3A_54 = tpu.memref_slice %arg7[%dma_wait3A, %dma_wait3A_53] : memref<40x128xi32, #tpu.memory_space<vmem>> -> memref<1x128xi32, #tpu.memory_space<vmem>>
      %dma_wait3A_55 = tpu.memref_squeeze %dma_wait3A_54 : memref<1x128xi32, #tpu.memory_space<vmem>> -> memref<128xi32, #tpu.memory_space<vmem>>
      %dma_wait3A_56 = arith.constant 0 : i32
      %dma_wait3A_57 = arith.constant 0 : i32
      %dma_wait3A_58 = tpu.memref_slice %arg2[%dma_wait3A_56, %dma_wait3A_57] : memref<10240x128xf32, #tpu.memory_space<hbm>> -> memref<10240x128xf32, #tpu.memory_space<hbm>>
      tpu.wait_indirect_dma semaphore(%arg12 : memref<!tpu.dma_semaphore, #tpu.memory_space<semaphore_mem>>) src(%dma_wait3A_58 : memref<10240x128xf32, #tpu.memory_space<hbm>>) dst(%arg9 : memref<128x128xf32, #tpu.memory_space<vmem>>)
      %dma_start3A_59 = arith.constant 0 : i32
      %dma_start3A_60 = tpu.memref_slice %arg8[%add3A_52, %dma_start3A_59] : memref<40x128xi32, #tpu.memory_space<vmem>> -> memref<1x128xi32, #tpu.memory_space<vmem>>
      %dma_start3A_61 = tpu.memref_squeeze %dma_start3A_60 : memref<1x128xi32, #tpu.memory_space<vmem>> -> memref<128xi32, #tpu.memory_space<vmem>>
      %dma_start3A_62 = arith.constant 0 : i32
      %dma_start3A_63 = arith.constant 0 : i32
      %dma_start3A_64 = tpu.memref_slice %arg11[%dma_start3A_62, %dma_start3A_63] : memref<10240x128xf32, #tpu.memory_space<vmem_shared>> -> memref<10240x128xf32, #tpu.memory_space<vmem_shared>>
      tpu.enqueue_indirect_dma source(%arg9 : memref<128x128xf32, #tpu.memory_space<vmem>>) target(%dma_start3A_64 : memref<10240x128xf32, #tpu.memory_space<vmem_shared>>) offsets(%dma_start3A_61 : memref<128xi32, #tpu.memory_space<vmem>>) semaphore(%arg14 : memref<!tpu.dma_semaphore, #tpu.memory_space<semaphore_mem>>) {add = true}
      %dma_wait3A_65 = arith.constant 0 : i32
      %dma_wait3A_66 = tpu.memref_slice %arg8[%add3A_52, %dma_wait3A_65] : memref<40x128xi32, #tpu.memory_space<vmem>> -> memref<1x128xi32, #tpu.memory_space<vmem>>
      %dma_wait3A_67 = tpu.memref_squeeze %dma_wait3A_66 : memref<1x128xi32, #tpu.memory_space<vmem>> -> memref<128xi32, #tpu.memory_space<vmem>>
      %dma_wait3A_68 = arith.constant 0 : i32
      %dma_wait3A_69 = arith.constant 0 : i32
      %dma_wait3A_70 = tpu.memref_slice %arg11[%dma_wait3A_68, %dma_wait3A_69] : memref<10240x128xf32, #tpu.memory_space<vmem_shared>> -> memref<10240x128xf32, #tpu.memory_space<vmem_shared>>
      tpu.wait_indirect_dma semaphore(%arg14 : memref<!tpu.dma_semaphore, #tpu.memory_space<semaphore_mem>>) src(%arg9 : memref<128x128xf32, #tpu.memory_space<vmem>>) dst(%dma_wait3A_70 : memref<10240x128xf32, #tpu.memory_space<vmem_shared>>)
      %add3A_71 = arith.constant 2 : i32
      %add3A_72 = arith.addi %add3A_52, %add3A_71 : i32
      %lt3A = arith.constant 40 : i32
      %lt3A_73 = arith.cmpi slt, %add3A_72, %lt3A : i32
      %convert_element_type3A = arith.extui %lt3A_73 : i1 to i32
      %cond3A = arith.constant 0 : i32
      %cond3A_74 = arith.cmpi ne, %convert_element_type3A, %cond3A : i32
      scf.if %cond3A_74 {
        %add3A_105 = arith.constant 2 : i32
        %add3A_106 = arith.addi %add3A_52, %add3A_105 : i32
        %dma_start3A_107 = arith.constant 0 : i32
        %dma_start3A_108 = tpu.memref_slice %arg7[%add3A_106, %dma_start3A_107] : memref<40x128xi32, #tpu.memory_space<vmem>> -> memref<1x128xi32, #tpu.memory_space<vmem>>
        %dma_start3A_109 = tpu.memref_squeeze %dma_start3A_108 : memref<1x128xi32, #tpu.memory_space<vmem>> -> memref<128xi32, #tpu.memory_space<vmem>>
        %dma_start3A_110 = arith.constant 0 : i32
        %dma_start3A_111 = arith.constant 0 : i32
        %dma_start3A_112 = tpu.memref_slice %arg2[%dma_start3A_110, %dma_start3A_111] : memref<10240x128xf32, #tpu.memory_space<hbm>> -> memref<10240x128xf32, #tpu.memory_space<hbm>>
        tpu.enqueue_indirect_dma source(%dma_start3A_112 : memref<10240x128xf32, #tpu.memory_space<hbm>>) target(%arg9 : memref<128x128xf32, #tpu.memory_space<vmem>>) offsets(%dma_start3A_109 : memref<128xi32, #tpu.memory_space<vmem>>) semaphore(%arg12 : memref<!tpu.dma_semaphore, #tpu.memory_space<semaphore_mem>>)
      } else {
      }
      %mul3A_75 = arith.constant 2 : i32
      %mul3A_76 = arith.muli %mul3A_75, %scan3A_48 : i32
      %add3A_77 = arith.constant 1 : i32
      %add3A_78 = arith.addi %mul3A_76, %add3A_77 : i32
      %dma_wait3A_79 = arith.constant 0 : i32
      %dma_wait3A_80 = arith.constant 0 : i32
      %dma_wait3A_81 = tpu.memref_slice %arg7[%dma_wait3A_79, %dma_wait3A_80] : memref<40x128xi32, #tpu.memory_space<vmem>> -> memref<1x128xi32, #tpu.memory_space<vmem>>
      %dma_wait3A_82 = tpu.memref_squeeze %dma_wait3A_81 : memref<1x128xi32, #tpu.memory_space<vmem>> -> memref<128xi32, #tpu.memory_space<vmem>>
      %dma_wait3A_83 = arith.constant 0 : i32
      %dma_wait3A_84 = arith.constant 0 : i32
      %dma_wait3A_85 = tpu.memref_slice %arg2[%dma_wait3A_83, %dma_wait3A_84] : memref<10240x128xf32, #tpu.memory_space<hbm>> -> memref<10240x128xf32, #tpu.memory_space<hbm>>
      tpu.wait_indirect_dma semaphore(%arg13 : memref<!tpu.dma_semaphore, #tpu.memory_space<semaphore_mem>>) src(%dma_wait3A_85 : memref<10240x128xf32, #tpu.memory_space<hbm>>) dst(%arg10 : memref<128x128xf32, #tpu.memory_space<vmem>>)
      %dma_start3A_86 = arith.constant 0 : i32
      %dma_start3A_87 = tpu.memref_slice %arg8[%add3A_78, %dma_start3A_86] : memref<40x128xi32, #tpu.memory_space<vmem>> -> memref<1x128xi32, #tpu.memory_space<vmem>>
      %dma_start3A_88 = tpu.memref_squeeze %dma_start3A_87 : memref<1x128xi32, #tpu.memory_space<vmem>> -> memref<128xi32, #tpu.memory_space<vmem>>
      %dma_start3A_89 = arith.constant 0 : i32
      %dma_start3A_90 = arith.constant 0 : i32
      %dma_start3A_91 = tpu.memref_slice %arg11[%dma_start3A_89, %dma_start3A_90] : memref<10240x128xf32, #tpu.memory_space<vmem_shared>> -> memref<10240x128xf32, #tpu.memory_space<vmem_shared>>
      tpu.enqueue_indirect_dma source(%arg10 : memref<128x128xf32, #tpu.memory_space<vmem>>) target(%dma_start3A_91 : memref<10240x128xf32, #tpu.memory_space<vmem_shared>>) offsets(%dma_start3A_88 : memref<128xi32, #tpu.memory_space<vmem>>) semaphore(%arg15 : memref<!tpu.dma_semaphore, #tpu.memory_space<semaphore_mem>>) {add = true}
      %dma_wait3A_92 = arith.constant 0 : i32
      %dma_wait3A_93 = tpu.memref_slice %arg8[%add3A_78, %dma_wait3A_92] : memref<40x128xi32, #tpu.memory_space<vmem>> -> memref<1x128xi32, #tpu.memory_space<vmem>>
      %dma_wait3A_94 = tpu.memref_squeeze %dma_wait3A_93 : memref<1x128xi32, #tpu.memory_space<vmem>> -> memref<128xi32, #tpu.memory_space<vmem>>
      %dma_wait3A_95 = arith.constant 0 : i32
      %dma_wait3A_96 = arith.constant 0 : i32
      %dma_wait3A_97 = tpu.memref_slice %arg11[%dma_wait3A_95, %dma_wait3A_96] : memref<10240x128xf32, #tpu.memory_space<vmem_shared>> -> memref<10240x128xf32, #tpu.memory_space<vmem_shared>>
      tpu.wait_indirect_dma semaphore(%arg15 : memref<!tpu.dma_semaphore, #tpu.memory_space<semaphore_mem>>) src(%arg10 : memref<128x128xf32, #tpu.memory_space<vmem>>) dst(%dma_wait3A_97 : memref<10240x128xf32, #tpu.memory_space<vmem_shared>>)
      %add3A_98 = arith.constant 2 : i32
      %add3A_99 = arith.addi %add3A_78, %add3A_98 : i32
      %lt3A_100 = arith.constant 40 : i32
      %lt3A_101 = arith.cmpi slt, %add3A_99, %lt3A_100 : i32
      %convert_element_type3A_102 = arith.extui %lt3A_101 : i1 to i32
      %cond3A_103 = arith.constant 0 : i32
      %cond3A_104 = arith.cmpi ne, %convert_element_type3A_102, %cond3A_103 : i32
      scf.if %cond3A_104 {
        %add3A_105 = arith.constant 2 : i32
        %add3A_106 = arith.addi %add3A_78, %add3A_105 : i32
        %dma_start3A_107 = arith.constant 0 : i32
        %dma_start3A_108 = tpu.memref_slice %arg7[%add3A_106, %dma_start3A_107] : memref<40x128xi32, #tpu.memory_space<vmem>> -> memref<1x128xi32, #tpu.memory_space<vmem>>
        %dma_start3A_109 = tpu.memref_squeeze %dma_start3A_108 : memref<1x128xi32, #tpu.memory_space<vmem>> -> memref<128xi32, #tpu.memory_space<vmem>>
        %dma_start3A_110 = arith.constant 0 : i32
        %dma_start3A_111 = arith.constant 0 : i32
        %dma_start3A_112 = tpu.memref_slice %arg2[%dma_start3A_110, %dma_start3A_111] : memref<10240x128xf32, #tpu.memory_space<hbm>> -> memref<10240x128xf32, #tpu.memory_space<hbm>>
        tpu.enqueue_indirect_dma source(%dma_start3A_112 : memref<10240x128xf32, #tpu.memory_space<hbm>>) target(%arg10 : memref<128x128xf32, #tpu.memory_space<vmem>>) offsets(%dma_start3A_109 : memref<128xi32, #tpu.memory_space<vmem>>) semaphore(%arg13 : memref<!tpu.dma_semaphore, #tpu.memory_space<semaphore_mem>>)
      } else {
      }
    }
    %scan3A_22 = arith.constant 20 : i32
    "tpu.region"() ({
      %run_scoped3A = tpu.sem_alloc : memref<!tpu.dma_semaphore, #tpu.memory_space<semaphore_mem>>
      %dma_start3A_48 = arith.constant 0 : i32
      %dma_start3A_49 = arith.constant 0 : i32
      %dma_start3A_50 = tpu.memref_slice %arg3[%add3A, %dma_start3A_48, %dma_start3A_49] : memref<32x80x128xi32, #tpu.memory_space<hbm>> -> memref<1x80x128xi32, #tpu.memory_space<hbm>>
      %dma_start3A_51 = tpu.memref_squeeze %dma_start3A_50 : memref<1x80x128xi32, #tpu.memory_space<hbm>> -> memref<80x128xi32, #tpu.memory_space<hbm>>
      %dma_start3A_52 = arith.constant 40 : i32
      %dma_start3A_53 = arith.constant 0 : i32
      %dma_start3A_54 = tpu.memref_slice %dma_start3A_51[%dma_start3A_52, %dma_start3A_53] : memref<80x128xi32, #tpu.memory_space<hbm>> -> memref<40x128xi32, #tpu.memory_space<hbm>>
      %dma_start3A_55 = arith.constant 0 : i32
      %dma_start3A_56 = arith.constant 0 : i32
      %dma_start3A_57 = tpu.memref_slice %arg3[%add3A, %dma_start3A_55, %dma_start3A_56] : memref<32x80x128xi32, #tpu.memory_space<hbm>> -> memref<1x80x128xi32, #tpu.memory_space<hbm>>
      %dma_start3A_58 = tpu.memref_squeeze %dma_start3A_57 : memref<1x80x128xi32, #tpu.memory_space<hbm>> -> memref<80x128xi32, #tpu.memory_space<hbm>>
      %dma_start3A_59 = arith.constant 40 : i32
      %dma_start3A_60 = arith.constant 0 : i32
      %dma_start3A_61 = tpu.memref_slice %dma_start3A_58[%dma_start3A_59, %dma_start3A_60] : memref<80x128xi32, #tpu.memory_space<hbm>> -> memref<40x128xi32, #tpu.memory_space<hbm>>
      tpu.enqueue_dma source(%dma_start3A_61 : memref<40x128xi32, #tpu.memory_space<hbm>>) target(%arg7 : memref<40x128xi32, #tpu.memory_space<vmem>>) target_semaphore(%run_scoped3A : memref<!tpu.dma_semaphore, #tpu.memory_space<semaphore_mem>>)
      %dma_wait3A = arith.constant 0 : i32
      %dma_wait3A_62 = arith.constant 0 : i32
      %dma_wait3A_63 = tpu.memref_slice %arg3[%add3A, %dma_wait3A, %dma_wait3A_62] : memref<32x80x128xi32, #tpu.memory_space<hbm>> -> memref<1x80x128xi32, #tpu.memory_space<hbm>>
      %dma_wait3A_64 = tpu.memref_squeeze %dma_wait3A_63 : memref<1x80x128xi32, #tpu.memory_space<hbm>> -> memref<80x128xi32, #tpu.memory_space<hbm>>
      %dma_wait3A_65 = arith.constant 40 : i32
      %dma_wait3A_66 = arith.constant 0 : i32
      %dma_wait3A_67 = tpu.memref_slice %dma_wait3A_64[%dma_wait3A_65, %dma_wait3A_66] : memref<80x128xi32, #tpu.memory_space<hbm>> -> memref<40x128xi32, #tpu.memory_space<hbm>>
      %dma_wait3A_68 = arith.constant 0 : i32
      %dma_wait3A_69 = arith.constant 0 : i32
      %dma_wait3A_70 = tpu.memref_slice %arg3[%add3A, %dma_wait3A_68, %dma_wait3A_69] : memref<32x80x128xi32, #tpu.memory_space<hbm>> -> memref<1x80x128xi32, #tpu.memory_space<hbm>>
      %dma_wait3A_71 = tpu.memref_squeeze %dma_wait3A_70 : memref<1x80x128xi32, #tpu.memory_space<hbm>> -> memref<80x128xi32, #tpu.memory_space<hbm>>
      %dma_wait3A_72 = arith.constant 40 : i32
      %dma_wait3A_73 = arith.constant 0 : i32
      %dma_wait3A_74 = tpu.memref_slice %dma_wait3A_71[%dma_wait3A_72, %dma_wait3A_73] : memref<80x128xi32, #tpu.memory_space<hbm>> -> memref<40x128xi32, #tpu.memory_space<hbm>>
      tpu.wait_dma2 semaphore(%run_scoped3A : memref<!tpu.dma_semaphore, #tpu.memory_space<semaphore_mem>>) src(%dma_wait3A_74 : memref<40x128xi32, #tpu.memory_space<hbm>>) dst(%arg7 : memref<40x128xi32, #tpu.memory_space<vmem>>)
      tpu.yield
    }) : () -> ()
    "tpu.region"() ({
      %run_scoped3A = tpu.sem_alloc : memref<!tpu.dma_semaphore, #tpu.memory_space<semaphore_mem>>
      %dma_start3A_48 = arith.constant 0 : i32
      %dma_start3A_49 = arith.constant 0 : i32
      %dma_start3A_50 = tpu.memref_slice %arg4[%add3A, %dma_start3A_48, %dma_start3A_49] : memref<32x80x128xi32, #tpu.memory_space<hbm>> -> memref<1x80x128xi32, #tpu.memory_space<hbm>>
      %dma_start3A_51 = tpu.memref_squeeze %dma_start3A_50 : memref<1x80x128xi32, #tpu.memory_space<hbm>> -> memref<80x128xi32, #tpu.memory_space<hbm>>
      %dma_start3A_52 = arith.constant 40 : i32
      %dma_start3A_53 = arith.constant 0 : i32
      %dma_start3A_54 = tpu.memref_slice %dma_start3A_51[%dma_start3A_52, %dma_start3A_53] : memref<80x128xi32, #tpu.memory_space<hbm>> -> memref<40x128xi32, #tpu.memory_space<hbm>>
      %dma_start3A_55 = arith.constant 0 : i32
      %dma_start3A_56 = arith.constant 0 : i32
      %dma_start3A_57 = tpu.memref_slice %arg4[%add3A, %dma_start3A_55, %dma_start3A_56] : memref<32x80x128xi32, #tpu.memory_space<hbm>> -> memref<1x80x128xi32, #tpu.memory_space<hbm>>
      %dma_start3A_58 = tpu.memref_squeeze %dma_start3A_57 : memref<1x80x128xi32, #tpu.memory_space<hbm>> -> memref<80x128xi32, #tpu.memory_space<hbm>>
      %dma_start3A_59 = arith.constant 40 : i32
      %dma_start3A_60 = arith.constant 0 : i32
      %dma_start3A_61 = tpu.memref_slice %dma_start3A_58[%dma_start3A_59, %dma_start3A_60] : memref<80x128xi32, #tpu.memory_space<hbm>> -> memref<40x128xi32, #tpu.memory_space<hbm>>
      tpu.enqueue_dma source(%dma_start3A_61 : memref<40x128xi32, #tpu.memory_space<hbm>>) target(%arg8 : memref<40x128xi32, #tpu.memory_space<vmem>>) target_semaphore(%run_scoped3A : memref<!tpu.dma_semaphore, #tpu.memory_space<semaphore_mem>>)
      %dma_wait3A = arith.constant 0 : i32
      %dma_wait3A_62 = arith.constant 0 : i32
      %dma_wait3A_63 = tpu.memref_slice %arg4[%add3A, %dma_wait3A, %dma_wait3A_62] : memref<32x80x128xi32, #tpu.memory_space<hbm>> -> memref<1x80x128xi32, #tpu.memory_space<hbm>>
      %dma_wait3A_64 = tpu.memref_squeeze %dma_wait3A_63 : memref<1x80x128xi32, #tpu.memory_space<hbm>> -> memref<80x128xi32, #tpu.memory_space<hbm>>
      %dma_wait3A_65 = arith.constant 40 : i32
      %dma_wait3A_66 = arith.constant 0 : i32
      %dma_wait3A_67 = tpu.memref_slice %dma_wait3A_64[%dma_wait3A_65, %dma_wait3A_66] : memref<80x128xi32, #tpu.memory_space<hbm>> -> memref<40x128xi32, #tpu.memory_space<hbm>>
      %dma_wait3A_68 = arith.constant 0 : i32
      %dma_wait3A_69 = arith.constant 0 : i32
      %dma_wait3A_70 = tpu.memref_slice %arg4[%add3A, %dma_wait3A_68, %dma_wait3A_69] : memref<32x80x128xi32, #tpu.memory_space<hbm>> -> memref<1x80x128xi32, #tpu.memory_space<hbm>>
      %dma_wait3A_71 = tpu.memref_squeeze %dma_wait3A_70 : memref<1x80x128xi32, #tpu.memory_space<hbm>> -> memref<80x128xi32, #tpu.memory_space<hbm>>
      %dma_wait3A_72 = arith.constant 40 : i32
      %dma_wait3A_73 = arith.constant 0 : i32
      %dma_wait3A_74 = tpu.memref_slice %dma_wait3A_71[%dma_wait3A_72, %dma_wait3A_73] : memref<80x128xi32, #tpu.memory_space<hbm>> -> memref<40x128xi32, #tpu.memory_space<hbm>>
      tpu.wait_dma2 semaphore(%run_scoped3A : memref<!tpu.dma_semaphore, #tpu.memory_space<semaphore_mem>>) src(%dma_wait3A_74 : memref<40x128xi32, #tpu.memory_space<hbm>>) dst(%arg8 : memref<40x128xi32, #tpu.memory_space<vmem>>)
      tpu.yield
    }) : () -> ()
    %dma_start3A_23 = arith.constant 0 : i32
    %dma_start3A_24 = arith.constant 0 : i32
    %dma_start3A_25 = tpu.memref_slice %arg7[%dma_start3A_23, %dma_start3A_24] : memref<40x128xi32, #tpu.memory_space<vmem>> -> memref<1x128xi32, #tpu.memory_space<vmem>>
    %dma_start3A_26 = tpu.memref_squeeze %dma_start3A_25 : memref<1x128xi32, #tpu.memory_space<vmem>> -> memref<128xi32, #tpu.memory_space<vmem>>
    %dma_start3A_27 = arith.constant 0 : i32
    %dma_start3A_28 = arith.constant 0 : i32
    %dma_start3A_29 = tpu.memref_slice %arg2[%dma_start3A_27, %dma_start3A_28] : memref<10240x128xf32, #tpu.memory_space<hbm>> -> memref<10240x128xf32, #tpu.memory_space<hbm>>
    tpu.enqueue_indirect_dma source(%dma_start3A_29 : memref<10240x128xf32, #tpu.memory_space<hbm>>) target(%arg9 : memref<128x128xf32, #tpu.memory_space<vmem>>) offsets(%dma_start3A_26 : memref<128xi32, #tpu.memory_space<vmem>>) semaphore(%arg12 : memref<!tpu.dma_semaphore, #tpu.memory_space<semaphore_mem>>)
    %dma_start3A_30 = arith.constant 1 : i32
    %dma_start3A_31 = arith.constant 0 : i32
    %dma_start3A_32 = tpu.memref_slice %arg7[%dma_start3A_30, %dma_start3A_31] : memref<40x128xi32, #tpu.memory_space<vmem>> -> memref<1x128xi32, #tpu.memory_space<vmem>>
    %dma_start3A_33 = tpu.memref_squeeze %dma_start3A_32 : memref<1x128xi32, #tpu.memory_space<vmem>> -> memref<128xi32, #tpu.memory_space<vmem>>
    %dma_start3A_34 = arith.constant 0 : i32
    %dma_start3A_35 = arith.constant 0 : i32
    %dma_start3A_36 = tpu.memref_slice %arg2[%dma_start3A_34, %dma_start3A_35] : memref<10240x128xf32, #tpu.memory_space<hbm>> -> memref<10240x128xf32, #tpu.memory_space<hbm>>
    tpu.enqueue_indirect_dma source(%dma_start3A_36 : memref<10240x128xf32, #tpu.memory_space<hbm>>) target(%arg10 : memref<128x128xf32, #tpu.memory_space<vmem>>) offsets(%dma_start3A_33 : memref<128xi32, #tpu.memory_space<vmem>>) semaphore(%arg13 : memref<!tpu.dma_semaphore, #tpu.memory_space<semaphore_mem>>)
    %scan3A_37 = arith.constant 0 : i32
    %scan3A_38 = arith.constant 0 : i32
    %scan3A_39 = arith.constant 20 : i32
    %scan3A_40 = arith.addi %scan3A_38, %scan3A_39 : i32
    %scan3A_41 = arith.constant 1 : i32
    scf.for %scan3A_48 = %scan3A_38 to %scan3A_40 step %scan3A_41  : i32 {
      %mul3A_49 = arith.constant 2 : i32
      %mul3A_50 = arith.muli %mul3A_49, %scan3A_48 : i32
      %add3A_51 = arith.constant 0 : i32
      %add3A_52 = arith.addi %mul3A_50, %add3A_51 : i32
      %dma_wait3A = arith.constant 0 : i32
      %dma_wait3A_53 = arith.constant 0 : i32
      %dma_wait3A_54 = tpu.memref_slice %arg7[%dma_wait3A, %dma_wait3A_53] : memref<40x128xi32, #tpu.memory_space<vmem>> -> memref<1x128xi32, #tpu.memory_space<vmem>>
      %dma_wait3A_55 = tpu.memref_squeeze %dma_wait3A_54 : memref<1x128xi32, #tpu.memory_space<vmem>> -> memref<128xi32, #tpu.memory_space<vmem>>
      %dma_wait3A_56 = arith.constant 0 : i32
      %dma_wait3A_57 = arith.constant 0 : i32
      %dma_wait3A_58 = tpu.memref_slice %arg2[%dma_wait3A_56, %dma_wait3A_57] : memref<10240x128xf32, #tpu.memory_space<hbm>> -> memref<10240x128xf32, #tpu.memory_space<hbm>>
      tpu.wait_indirect_dma semaphore(%arg12 : memref<!tpu.dma_semaphore, #tpu.memory_space<semaphore_mem>>) src(%dma_wait3A_58 : memref<10240x128xf32, #tpu.memory_space<hbm>>) dst(%arg9 : memref<128x128xf32, #tpu.memory_space<vmem>>)
      %dma_start3A_59 = arith.constant 0 : i32
      %dma_start3A_60 = tpu.memref_slice %arg8[%add3A_52, %dma_start3A_59] : memref<40x128xi32, #tpu.memory_space<vmem>> -> memref<1x128xi32, #tpu.memory_space<vmem>>
      %dma_start3A_61 = tpu.memref_squeeze %dma_start3A_60 : memref<1x128xi32, #tpu.memory_space<vmem>> -> memref<128xi32, #tpu.memory_space<vmem>>
      %dma_start3A_62 = arith.constant 0 : i32
      %dma_start3A_63 = arith.constant 0 : i32
      %dma_start3A_64 = tpu.memref_slice %arg11[%dma_start3A_62, %dma_start3A_63] : memref<10240x128xf32, #tpu.memory_space<vmem_shared>> -> memref<10240x128xf32, #tpu.memory_space<vmem_shared>>
      tpu.enqueue_indirect_dma source(%arg9 : memref<128x128xf32, #tpu.memory_space<vmem>>) target(%dma_start3A_64 : memref<10240x128xf32, #tpu.memory_space<vmem_shared>>) offsets(%dma_start3A_61 : memref<128xi32, #tpu.memory_space<vmem>>) semaphore(%arg14 : memref<!tpu.dma_semaphore, #tpu.memory_space<semaphore_mem>>) {add = true}
      %dma_wait3A_65 = arith.constant 0 : i32
      %dma_wait3A_66 = tpu.memref_slice %arg8[%add3A_52, %dma_wait3A_65] : memref<40x128xi32, #tpu.memory_space<vmem>> -> memref<1x128xi32, #tpu.memory_space<vmem>>
      %dma_wait3A_67 = tpu.memref_squeeze %dma_wait3A_66 : memref<1x128xi32, #tpu.memory_space<vmem>> -> memref<128xi32, #tpu.memory_space<vmem>>
      %dma_wait3A_68 = arith.constant 0 : i32
      %dma_wait3A_69 = arith.constant 0 : i32
      %dma_wait3A_70 = tpu.memref_slice %arg11[%dma_wait3A_68, %dma_wait3A_69] : memref<10240x128xf32, #tpu.memory_space<vmem_shared>> -> memref<10240x128xf32, #tpu.memory_space<vmem_shared>>
      tpu.wait_indirect_dma semaphore(%arg14 : memref<!tpu.dma_semaphore, #tpu.memory_space<semaphore_mem>>) src(%arg9 : memref<128x128xf32, #tpu.memory_space<vmem>>) dst(%dma_wait3A_70 : memref<10240x128xf32, #tpu.memory_space<vmem_shared>>)
      %add3A_71 = arith.constant 2 : i32
      %add3A_72 = arith.addi %add3A_52, %add3A_71 : i32
      %lt3A = arith.constant 40 : i32
      %lt3A_73 = arith.cmpi slt, %add3A_72, %lt3A : i32
      %convert_element_type3A = arith.extui %lt3A_73 : i1 to i32
      %cond3A = arith.constant 0 : i32
      %cond3A_74 = arith.cmpi ne, %convert_element_type3A, %cond3A : i32
      scf.if %cond3A_74 {
        %add3A_105 = arith.constant 2 : i32
        %add3A_106 = arith.addi %add3A_52, %add3A_105 : i32
        %dma_start3A_107 = arith.constant 0 : i32
        %dma_start3A_108 = tpu.memref_slice %arg7[%add3A_106, %dma_start3A_107] : memref<40x128xi32, #tpu.memory_space<vmem>> -> memref<1x128xi32, #tpu.memory_space<vmem>>
        %dma_start3A_109 = tpu.memref_squeeze %dma_start3A_108 : memref<1x128xi32, #tpu.memory_space<vmem>> -> memref<128xi32, #tpu.memory_space<vmem>>
        %dma_start3A_110 = arith.constant 0 : i32
        %dma_start3A_111 = arith.constant 0 : i32
        %dma_start3A_112 = tpu.memref_slice %arg2[%dma_start3A_110, %dma_start3A_111] : memref<10240x128xf32, #tpu.memory_space<hbm>> -> memref<10240x128xf32, #tpu.memory_space<hbm>>
        tpu.enqueue_indirect_dma source(%dma_start3A_112 : memref<10240x128xf32, #tpu.memory_space<hbm>>) target(%arg9 : memref<128x128xf32, #tpu.memory_space<vmem>>) offsets(%dma_start3A_109 : memref<128xi32, #tpu.memory_space<vmem>>) semaphore(%arg12 : memref<!tpu.dma_semaphore, #tpu.memory_space<semaphore_mem>>)
      } else {
      }
      %mul3A_75 = arith.constant 2 : i32
      %mul3A_76 = arith.muli %mul3A_75, %scan3A_48 : i32
      %add3A_77 = arith.constant 1 : i32
      %add3A_78 = arith.addi %mul3A_76, %add3A_77 : i32
      %dma_wait3A_79 = arith.constant 0 : i32
      %dma_wait3A_80 = arith.constant 0 : i32
      %dma_wait3A_81 = tpu.memref_slice %arg7[%dma_wait3A_79, %dma_wait3A_80] : memref<40x128xi32, #tpu.memory_space<vmem>> -> memref<1x128xi32, #tpu.memory_space<vmem>>
      %dma_wait3A_82 = tpu.memref_squeeze %dma_wait3A_81 : memref<1x128xi32, #tpu.memory_space<vmem>> -> memref<128xi32, #tpu.memory_space<vmem>>
      %dma_wait3A_83 = arith.constant 0 : i32
      %dma_wait3A_84 = arith.constant 0 : i32
      %dma_wait3A_85 = tpu.memref_slice %arg2[%dma_wait3A_83, %dma_wait3A_84] : memref<10240x128xf32, #tpu.memory_space<hbm>> -> memref<10240x128xf32, #tpu.memory_space<hbm>>
      tpu.wait_indirect_dma semaphore(%arg13 : memref<!tpu.dma_semaphore, #tpu.memory_space<semaphore_mem>>) src(%dma_wait3A_85 : memref<10240x128xf32, #tpu.memory_space<hbm>>) dst(%arg10 : memref<128x128xf32, #tpu.memory_space<vmem>>)
      %dma_start3A_86 = arith.constant 0 : i32
      %dma_start3A_87 = tpu.memref_slice %arg8[%add3A_78, %dma_start3A_86] : memref<40x128xi32, #tpu.memory_space<vmem>> -> memref<1x128xi32, #tpu.memory_space<vmem>>
      %dma_start3A_88 = tpu.memref_squeeze %dma_start3A_87 : memref<1x128xi32, #tpu.memory_space<vmem>> -> memref<128xi32, #tpu.memory_space<vmem>>
      %dma_start3A_89 = arith.constant 0 : i32
      %dma_start3A_90 = arith.constant 0 : i32
      %dma_start3A_91 = tpu.memref_slice %arg11[%dma_start3A_89, %dma_start3A_90] : memref<10240x128xf32, #tpu.memory_space<vmem_shared>> -> memref<10240x128xf32, #tpu.memory_space<vmem_shared>>
      tpu.enqueue_indirect_dma source(%arg10 : memref<128x128xf32, #tpu.memory_space<vmem>>) target(%dma_start3A_91 : memref<10240x128xf32, #tpu.memory_space<vmem_shared>>) offsets(%dma_start3A_88 : memref<128xi32, #tpu.memory_space<vmem>>) semaphore(%arg15 : memref<!tpu.dma_semaphore, #tpu.memory_space<semaphore_mem>>) {add = true}
      %dma_wait3A_92 = arith.constant 0 : i32
      %dma_wait3A_93 = tpu.memref_slice %arg8[%add3A_78, %dma_wait3A_92] : memref<40x128xi32, #tpu.memory_space<vmem>> -> memref<1x128xi32, #tpu.memory_space<vmem>>
      %dma_wait3A_94 = tpu.memref_squeeze %dma_wait3A_93 : memref<1x128xi32, #tpu.memory_space<vmem>> -> memref<128xi32, #tpu.memory_space<vmem>>
      %dma_wait3A_95 = arith.constant 0 : i32
      %dma_wait3A_96 = arith.constant 0 : i32
      %dma_wait3A_97 = tpu.memref_slice %arg11[%dma_wait3A_95, %dma_wait3A_96] : memref<10240x128xf32, #tpu.memory_space<vmem_shared>> -> memref<10240x128xf32, #tpu.memory_space<vmem_shared>>
      tpu.wait_indirect_dma semaphore(%arg15 : memref<!tpu.dma_semaphore, #tpu.memory_space<semaphore_mem>>) src(%arg10 : memref<128x128xf32, #tpu.memory_space<vmem>>) dst(%dma_wait3A_97 : memref<10240x128xf32, #tpu.memory_space<vmem_shared>>)
      %add3A_98 = arith.constant 2 : i32
      %add3A_99 = arith.addi %add3A_78, %add3A_98 : i32
      %lt3A_100 = arith.constant 40 : i32
      %lt3A_101 = arith.cmpi slt, %add3A_99, %lt3A_100 : i32
      %convert_element_type3A_102 = arith.extui %lt3A_101 : i1 to i32
      %cond3A_103 = arith.constant 0 : i32
      %cond3A_104 = arith.cmpi ne, %convert_element_type3A_102, %cond3A_103 : i32
      scf.if %cond3A_104 {
        %add3A_105 = arith.constant 2 : i32
        %add3A_106 = arith.addi %add3A_78, %add3A_105 : i32
        %dma_start3A_107 = arith.constant 0 : i32
        %dma_start3A_108 = tpu.memref_slice %arg7[%add3A_106, %dma_start3A_107] : memref<40x128xi32, #tpu.memory_space<vmem>> -> memref<1x128xi32, #tpu.memory_space<vmem>>
        %dma_start3A_109 = tpu.memref_squeeze %dma_start3A_108 : memref<1x128xi32, #tpu.memory_space<vmem>> -> memref<128xi32, #tpu.memory_space<vmem>>
        %dma_start3A_110 = arith.constant 0 : i32
        %dma_start3A_111 = arith.constant 0 : i32
        %dma_start3A_112 = tpu.memref_slice %arg2[%dma_start3A_110, %dma_start3A_111] : memref<10240x128xf32, #tpu.memory_space<hbm>> -> memref<10240x128xf32, #tpu.memory_space<hbm>>
        tpu.enqueue_indirect_dma source(%dma_start3A_112 : memref<10240x128xf32, #tpu.memory_space<hbm>>) target(%arg10 : memref<128x128xf32, #tpu.memory_space<vmem>>) offsets(%dma_start3A_109 : memref<128xi32, #tpu.memory_space<vmem>>) semaphore(%arg13 : memref<!tpu.dma_semaphore, #tpu.memory_space<semaphore_mem>>)
      } else {
      }
    }
    %scan3A_42 = arith.constant 20 : i32
    %barrier3A_43 = arith.constant 0 : index
    tpu.barrier barrier_id(%barrier3A_43)
    %mul3A_44 = arith.constant 640 : i32
    %mul3A_45 = arith.muli %arg1, %mul3A_44 : i32
    %mul3A_46 = arith.constant 640 : i32
    %mul3A_47 = arith.muli %arg1, %mul3A_46 : i32
    "tpu.region"() ({
      %run_scoped3A = tpu.sem_alloc : memref<!tpu.dma_semaphore, #tpu.memory_space<semaphore_mem>>
      %dma_start3A_48 = arith.constant 0 : i32
      %dma_start3A_49 = arith.constant 0 : i32
      %dma_start3A_50 = tpu.memref_slice %arg6[%arg0, %dma_start3A_48, %dma_start3A_49] : memref<2x10240x128xf32, #tpu.memory_space<hbm>> -> memref<1x10240x128xf32, #tpu.memory_space<hbm>>
      %dma_start3A_51 = tpu.memref_squeeze %dma_start3A_50 : memref<1x10240x128xf32, #tpu.memory_space<hbm>> -> memref<10240x128xf32, #tpu.memory_space<hbm>>
      %dma_start3A_52 = arith.constant 0 : i32
      %dma_start3A_53 = tpu.memref_slice %dma_start3A_51[%mul3A_47, %dma_start3A_52] : memref<10240x128xf32, #tpu.memory_space<hbm>> -> memref<640x128xf32, #tpu.memory_space<hbm>>
      %dma_start3A_54 = arith.constant 0 : i32
      %dma_start3A_55 = tpu.memref_slice %arg11[%mul3A_45, %dma_start3A_54] : memref<10240x128xf32, #tpu.memory_space<vmem_shared>> -> memref<640x128xf32, #tpu.memory_space<vmem_shared>>
      tpu.enqueue_dma source(%dma_start3A_55 : memref<640x128xf32, #tpu.memory_space<vmem_shared>>) target(%dma_start3A_53 : memref<640x128xf32, #tpu.memory_space<hbm>>) target_semaphore(%run_scoped3A : memref<!tpu.dma_semaphore, #tpu.memory_space<semaphore_mem>>)
      %dma_wait3A = arith.constant 0 : i32
      %dma_wait3A_56 = arith.constant 0 : i32
      %dma_wait3A_57 = tpu.memref_slice %arg6[%arg0, %dma_wait3A, %dma_wait3A_56] : memref<2x10240x128xf32, #tpu.memory_space<hbm>> -> memref<1x10240x128xf32, #tpu.memory_space<hbm>>
      %dma_wait3A_58 = tpu.memref_squeeze %dma_wait3A_57 : memref<1x10240x128xf32, #tpu.memory_space<hbm>> -> memref<10240x128xf32, #tpu.memory_space<hbm>>
      %dma_wait3A_59 = arith.constant 0 : i32
      %dma_wait3A_60 = tpu.memref_slice %dma_wait3A_58[%mul3A_47, %dma_wait3A_59] : memref<10240x128xf32, #tpu.memory_space<hbm>> -> memref<640x128xf32, #tpu.memory_space<hbm>>
      %dma_wait3A_61 = arith.constant 0 : i32
      %dma_wait3A_62 = tpu.memref_slice %arg11[%mul3A_45, %dma_wait3A_61] : memref<10240x128xf32, #tpu.memory_space<vmem_shared>> -> memref<640x128xf32, #tpu.memory_space<vmem_shared>>
      tpu.wait_dma2 semaphore(%run_scoped3A : memref<!tpu.dma_semaphore, #tpu.memory_space<semaphore_mem>>) src(%dma_wait3A_62 : memref<640x128xf32, #tpu.memory_space<vmem_shared>>) dst(%dma_wait3A_60 : memref<640x128xf32, #tpu.memory_space<hbm>>)
      tpu.yield
    }) : () -> ()
    return
  }
}

module attributes {stable_mosaic.version = 14 : i64} {
  func.func @_proj_body(%arg0: i32, %arg1: memref<2048x128xf32, #tpu.memory_space<vmem>>, %arg2: memref<128x128xf32, #tpu.memory_space<vmem>>, %arg3: memref<2048x128xf32, #tpu.memory_space<vmem>>) attributes {dimension_semantics = [#tpu.dimension_semantics<arbitrary>], iteration_bounds = array<i64: 5>, scalar_prefetch = 0 : i64, scratch_operands = 0 : i64, tpu.core_type = #tpu.core_type<tc>, window_params = [{transform_indices = @transform_0, window_bounds = array<i64: 2048, 128>}, {pipeline_mode = #tpu.pipeline_mode<synchronous>, transform_indices = @transform_1, window_bounds = array<i64: 128, 128>}, {transform_indices = @transform_2, window_bounds = array<i64: 2048, 128>}]} {
    %get3A = arith.constant 0 : index
    %get3A_0 = arith.constant 0 : index
    %get3A_1 = vector.load %arg1[%get3A, %get3A_0] : memref<2048x128xf32, #tpu.memory_space<vmem>>, vector<2048x128xf32>
    %get3A_2 = arith.constant 0 : index
    %get3A_3 = arith.constant 0 : index
    %get3A_4 = vector.load %arg2[%get3A_2, %get3A_3] : memref<128x128xf32, #tpu.memory_space<vmem>>, vector<128x128xf32>
    %dot_general3A = arith.constant dense<0.000000e+00> : vector<2048x128xf32>
    %dot_general3A_5 = tpu.matmul %get3A_1, %get3A_4, %dot_general3A {dimension_numbers = #tpu.dot_dimension_numbers<[1], [1], [0], [0], [0, 0, 1, 0], [], []>, transpose_lhs_hint = false} : vector<2048x128xf32>, vector<128x128xf32>, vector<2048x128xf32> -> vector<2048x128xf32>
    %swap3A = arith.constant 0 : index
    %swap3A_6 = arith.constant 0 : index
    %swap3A_7 = vector.load %arg3[%swap3A, %swap3A_6] : memref<2048x128xf32, #tpu.memory_space<vmem>>, vector<2048x128xf32>
    tpu.vector_store %arg3[%swap3A, %swap3A_6], %dot_general3A_5 {strides = array<i32>} : memref<2048x128xf32, #tpu.memory_space<vmem>>, vector<2048x128xf32>,
    return
  }
  func.func @transform_0(%arg0: i32) -> (i32, i32) {
    %c0_i32 = arith.constant 0 : i32
    %c0_i32_0 = arith.constant 0 : i32
    return %arg0, %c0_i32 : i32, i32
  }
  func.func @transform_1(%arg0: i32) -> (i32, i32) {
    %c0_i32 = arith.constant 0 : i32
    %c0_i32_0 = arith.constant 0 : i32
    %c0_i32_1 = arith.constant 0 : i32
    return %c0_i32, %c0_i32_0 : i32, i32
  }
  func.func @transform_2(%arg0: i32) -> (i32, i32) {
    %c0_i32 = arith.constant 0 : i32
    %c0_i32_0 = arith.constant 0 : i32
    return %arg0, %c0_i32 : i32, i32
  }
}

module attributes {stable_mosaic.version = 14 : i64} {
  func.func @_mid_body(%arg0: i32, %arg1: memref<2x2048x128xf32, #tpu.memory_space<vmem>>, %arg2: memref<2x2048x1xf32, #tpu.memory_space<vmem>>, %arg3: memref<2048x128xf32, #tpu.memory_space<vmem>>, %arg4: memref<128x128xf32, #tpu.memory_space<vmem>>, %arg5: memref<1x128xf32, #tpu.memory_space<vmem>>, %arg6: memref<128x128xf32, #tpu.memory_space<vmem>>, %arg7: memref<2048x128xf32, #tpu.memory_space<vmem>>, %arg8: memref<2048x128xf32, #tpu.memory_space<vmem>>) attributes {dimension_semantics = [#tpu.dimension_semantics<arbitrary>], iteration_bounds = array<i64: 5>, scalar_prefetch = 0 : i64, scratch_operands = 0 : i64, tpu.core_type = #tpu.core_type<tc>, window_params = [{transform_indices = @transform_0, window_bounds = array<i64: 2, 2048, 128>}, {transform_indices = @transform_1, window_bounds = array<i64: 2, 2048, 1>}, {transform_indices = @transform_2, window_bounds = array<i64: 2048, 128>}, {pipeline_mode = #tpu.pipeline_mode<synchronous>, transform_indices = @transform_3, window_bounds = array<i64: 128, 128>}, {pipeline_mode = #tpu.pipeline_mode<synchronous>, transform_indices = @transform_4, window_bounds = array<i64: 1, 128>}, {pipeline_mode = #tpu.pipeline_mode<synchronous>, transform_indices = @transform_5, window_bounds = array<i64: 128, 128>}, {transform_indices = @transform_6, window_bounds = array<i64: 2048, 128>}, {transform_indices = @transform_7, window_bounds = array<i64: 2048, 128>}]} {
    %get3A = arith.constant 0 : index
    %get3A_0 = arith.constant 0 : index
    %get3A_1 = arith.constant 0 : index
    %get3A_2 = vector.load %arg2[%get3A, %get3A_0, %get3A_1] : memref<2x2048x1xf32, #tpu.memory_space<vmem>>, vector<1x2048x1xf32>
    %get3A_3 = vector.shape_cast %get3A_2 : vector<1x2048x1xf32> to vector<2048x1xf32>
    %get3A_4 = arith.constant 1 : index
    %get3A_5 = arith.constant 0 : index
    %get3A_6 = arith.constant 0 : index
    %get3A_7 = vector.load %arg2[%get3A_4, %get3A_5, %get3A_6] : memref<2x2048x1xf32, #tpu.memory_space<vmem>>, vector<1x2048x1xf32>
    %get3A_8 = vector.shape_cast %get3A_7 : vector<1x2048x1xf32> to vector<2048x1xf32>
    %add3A = arith.addf %get3A_3, %get3A_8 : vector<2048x1xf32>
    %get3A_9 = arith.constant 0 : index
    %get3A_10 = arith.constant 0 : index
    %get3A_11 = arith.constant 0 : index
    %get3A_12 = vector.load %arg1[%get3A_9, %get3A_10, %get3A_11] : memref<2x2048x128xf32, #tpu.memory_space<vmem>>, vector<1x2048x128xf32>
    %get3A_13 = vector.shape_cast %get3A_12 : vector<1x2048x128xf32> to vector<2048x128xf32>
    %get3A_14 = arith.constant 1 : index
    %get3A_15 = arith.constant 0 : index
    %get3A_16 = arith.constant 0 : index
    %get3A_17 = vector.load %arg1[%get3A_14, %get3A_15, %get3A_16] : memref<2x2048x128xf32, #tpu.memory_space<vmem>>, vector<1x2048x128xf32>
    %get3A_18 = vector.shape_cast %get3A_17 : vector<1x2048x128xf32> to vector<2048x128xf32>
    %add3A_19 = arith.addf %get3A_13, %get3A_18 : vector<2048x128xf32>
    %max3A = arith.constant 1.000000e+00 : f32
    %max3A_20 = vector.broadcast %max3A : f32 to vector<2048x1xf32>
    %max3A_21 = arith.maximumf %add3A, %max3A_20 : vector<2048x1xf32>
    %div3A = vector.broadcast %max3A_21 : vector<2048x1xf32> to vector<2048x128xf32>
    %div3A_22 = arith.divf %add3A_19, %div3A : vector<2048x128xf32>
    %get3A_23 = arith.constant 0 : index
    %get3A_24 = arith.constant 0 : index
    %get3A_25 = vector.load %arg3[%get3A_23, %get3A_24] : memref<2048x128xf32, #tpu.memory_space<vmem>>, vector<2048x128xf32>
    %get3A_26 = arith.constant 0 : index
    %get3A_27 = arith.constant 0 : index
    %get3A_28 = vector.load %arg4[%get3A_26, %get3A_27] : memref<128x128xf32, #tpu.memory_space<vmem>>, vector<128x128xf32>
    %dot_general3A = arith.constant dense<0.000000e+00> : vector<2048x128xf32>
    %dot_general3A_29 = tpu.matmul %get3A_25, %get3A_28, %dot_general3A {dimension_numbers = #tpu.dot_dimension_numbers<[1], [1], [0], [0], [0, 0, 1, 0], [], []>, transpose_lhs_hint = false} : vector<2048x128xf32>, vector<128x128xf32>, vector<2048x128xf32> -> vector<2048x128xf32>
    %add3A_30 = arith.addf %div3A_22, %dot_general3A_29 : vector<2048x128xf32>
    %get3A_31 = arith.constant 0 : index
    %get3A_32 = arith.constant 0 : index
    %get3A_33 = vector.load %arg5[%get3A_31, %get3A_32] : memref<1x128xf32, #tpu.memory_space<vmem>>, vector<1x128xf32>
    %add3A_34 = vector.broadcast %get3A_33 : vector<1x128xf32> to vector<2048x128xf32>
    %add3A_35 = arith.addf %add3A_30, %add3A_34 : vector<2048x128xf32>
    %max3A_36 = arith.constant 0.000000e+00 : f32
    %max3A_37 = vector.broadcast %max3A_36 : f32 to vector<2048x128xf32>
    %max3A_38 = arith.maximumf %add3A_35, %max3A_37 : vector<2048x128xf32>
    %swap3A = arith.constant 0 : index
    %swap3A_39 = arith.constant 0 : index
    %swap3A_40 = vector.load %arg7[%swap3A, %swap3A_39] : memref<2048x128xf32, #tpu.memory_space<vmem>>, vector<2048x128xf32>
    tpu.vector_store %arg7[%swap3A, %swap3A_39], %max3A_38 {strides = array<i32>} : memref<2048x128xf32, #tpu.memory_space<vmem>>, vector<2048x128xf32>,
    %get3A_41 = arith.constant 0 : index
    %get3A_42 = arith.constant 0 : index
    %get3A_43 = vector.load %arg6[%get3A_41, %get3A_42] : memref<128x128xf32, #tpu.memory_space<vmem>>, vector<128x128xf32>
    %dot_general3A_44 = arith.constant dense<0.000000e+00> : vector<2048x128xf32>
    %dot_general3A_45 = tpu.matmul %max3A_38, %get3A_43, %dot_general3A_44 {dimension_numbers = #tpu.dot_dimension_numbers<[1], [1], [0], [0], [0, 0, 1, 0], [], []>, transpose_lhs_hint = false} : vector<2048x128xf32>, vector<128x128xf32>, vector<2048x128xf32> -> vector<2048x128xf32>
    %mul3A = arith.constant 2048 : i32
    %mul3A_46 = arith.muli %arg0, %mul3A : i32
    %iota3A = tpu.iota {dimensions = array<i32: 0>} : vector<2048x1xi32>
    %add3A_47 = vector.broadcast %mul3A_46 : i32 to vector<2048x1xi32>
    %add3A_48 = arith.addi %add3A_47, %iota3A : vector<2048x1xi32>
    %lt3A = arith.constant 10000 : i32
    %lt3A_49 = vector.broadcast %lt3A : i32 to vector<2048x1xi32>
    %lt3A_50 = arith.cmpi slt, %add3A_48, %lt3A_49 : vector<2048x1xi32>
    %jit3A = arith.constant 0.000000e+00 : f32
    %broadcast_in_dim3A = vector.shape_cast %lt3A_50 : vector<2048x1xi1> to vector<2048x1xi1>
    %broadcast_in_dim3A_51 = vector.broadcast %broadcast_in_dim3A : vector<2048x1xi1> to vector<2048x128xi1>
    %broadcast_in_dim3A_52 = vector.broadcast %jit3A : f32 to vector<2048x128xf32>
    %select_n3A = arith.select %broadcast_in_dim3A_51, %dot_general3A_45, %broadcast_in_dim3A_52 : vector<2048x128xi1>, vector<2048x128xf32>
    %swap3A_53 = arith.constant 0 : index
    %swap3A_54 = arith.constant 0 : index
    %swap3A_55 = vector.load %arg8[%swap3A_53, %swap3A_54] : memref<2048x128xf32, #tpu.memory_space<vmem>>, vector<2048x128xf32>
    tpu.vector_store %arg8[%swap3A_53, %swap3A_54], %select_n3A {strides = array<i32>} : memref<2048x128xf32, #tpu.memory_space<vmem>>, vector<2048x128xf32>,
    return
  }
  func.func @transform_0(%arg0: i32) -> (i32, i32, i32) {
    %c0_i32 = arith.constant 0 : i32
    %c0_i32_0 = arith.constant 0 : i32
    %c0_i32_1 = arith.constant 0 : i32
    return %c0_i32, %arg0, %c0_i32_0 : i32, i32, i32
  }
  func.func @transform_1(%arg0: i32) -> (i32, i32, i32) {
    %c0_i32 = arith.constant 0 : i32
    %c0_i32_0 = arith.constant 0 : i32
    %c0_i32_1 = arith.constant 0 : i32
    return %c0_i32, %arg0, %c0_i32_0 : i32, i32, i32
  }
  func.func @transform_2(%arg0: i32) -> (i32, i32) {
    %c0_i32 = arith.constant 0 : i32
    %c0_i32_0 = arith.constant 0 : i32
    return %arg0, %c0_i32 : i32, i32
  }
  func.func @transform_3(%arg0: i32) -> (i32, i32) {
    %c0_i32 = arith.constant 0 : i32
    %c0_i32_0 = arith.constant 0 : i32
    %c0_i32_1 = arith.constant 0 : i32
    return %c0_i32, %c0_i32_0 : i32, i32
  }
  func.func @transform_4(%arg0: i32) -> (i32, i32) {
    %c0_i32 = arith.constant 0 : i32
    %c0_i32_0 = arith.constant 0 : i32
    %c0_i32_1 = arith.constant 0 : i32
    return %c0_i32, %c0_i32_0 : i32, i32
  }
  func.func @transform_5(%arg0: i32) -> (i32, i32) {
    %c0_i32 = arith.constant 0 : i32
    %c0_i32_0 = arith.constant 0 : i32
    %c0_i32_1 = arith.constant 0 : i32
    return %c0_i32, %c0_i32_0 : i32, i32
  }
  func.func @transform_6(%arg0: i32) -> (i32, i32) {
    %c0_i32 = arith.constant 0 : i32
    %c0_i32_0 = arith.constant 0 : i32
    return %arg0, %c0_i32 : i32, i32
  }
  func.func @transform_7(%arg0: i32) -> (i32, i32) {
    %c0_i32 = arith.constant 0 : i32
    %c0_i32_0 = arith.constant 0 : i32
    return %arg0, %c0_i32 : i32, i32
  }
}

module attributes {stable_mosaic.version = 14 : i64} {
  func.func @_fin_body(%arg0: i32, %arg1: memref<2x2048x128xf32, #tpu.memory_space<vmem>>, %arg2: memref<2x2048x1xf32, #tpu.memory_space<vmem>>, %arg3: memref<2048x128xf32, #tpu.memory_space<vmem>>, %arg4: memref<128x128xf32, #tpu.memory_space<vmem>>, %arg5: memref<1x128xf32, #tpu.memory_space<vmem>>, %arg6: memref<8x128xf32, #tpu.memory_space<vmem>>, %arg7: memref<1x8xf32, #tpu.memory_space<vmem>>, %arg8: memref<2048x2xf32, #tpu.memory_space<vmem>>) attributes {dimension_semantics = [#tpu.dimension_semantics<arbitrary>], iteration_bounds = array<i64: 5>, scalar_prefetch = 0 : i64, scratch_operands = 0 : i64, tpu.core_type = #tpu.core_type<tc>, window_params = [{transform_indices = @transform_0, window_bounds = array<i64: 2, 2048, 128>}, {transform_indices = @transform_1, window_bounds = array<i64: 2, 2048, 1>}, {transform_indices = @transform_2, window_bounds = array<i64: 2048, 128>}, {pipeline_mode = #tpu.pipeline_mode<synchronous>, transform_indices = @transform_3, window_bounds = array<i64: 128, 128>}, {pipeline_mode = #tpu.pipeline_mode<synchronous>, transform_indices = @transform_4, window_bounds = array<i64: 1, 128>}, {pipeline_mode = #tpu.pipeline_mode<synchronous>, transform_indices = @transform_5, window_bounds = array<i64: 8, 128>}, {pipeline_mode = #tpu.pipeline_mode<synchronous>, transform_indices = @transform_6, window_bounds = array<i64: 1, 8>}, {transform_indices = @transform_7, window_bounds = array<i64: 2048, 2>}]} {
    %get3A = arith.constant 0 : index
    %get3A_0 = arith.constant 0 : index
    %get3A_1 = arith.constant 0 : index
    %get3A_2 = vector.load %arg2[%get3A, %get3A_0, %get3A_1] : memref<2x2048x1xf32, #tpu.memory_space<vmem>>, vector<1x2048x1xf32>
    %get3A_3 = vector.shape_cast %get3A_2 : vector<1x2048x1xf32> to vector<2048x1xf32>
    %get3A_4 = arith.constant 1 : index
    %get3A_5 = arith.constant 0 : index
    %get3A_6 = arith.constant 0 : index
    %get3A_7 = vector.load %arg2[%get3A_4, %get3A_5, %get3A_6] : memref<2x2048x1xf32, #tpu.memory_space<vmem>>, vector<1x2048x1xf32>
    %get3A_8 = vector.shape_cast %get3A_7 : vector<1x2048x1xf32> to vector<2048x1xf32>
    %add3A = arith.addf %get3A_3, %get3A_8 : vector<2048x1xf32>
    %get3A_9 = arith.constant 0 : index
    %get3A_10 = arith.constant 0 : index
    %get3A_11 = arith.constant 0 : index
    %get3A_12 = vector.load %arg1[%get3A_9, %get3A_10, %get3A_11] : memref<2x2048x128xf32, #tpu.memory_space<vmem>>, vector<1x2048x128xf32>
    %get3A_13 = vector.shape_cast %get3A_12 : vector<1x2048x128xf32> to vector<2048x128xf32>
    %get3A_14 = arith.constant 1 : index
    %get3A_15 = arith.constant 0 : index
    %get3A_16 = arith.constant 0 : index
    %get3A_17 = vector.load %arg1[%get3A_14, %get3A_15, %get3A_16] : memref<2x2048x128xf32, #tpu.memory_space<vmem>>, vector<1x2048x128xf32>
    %get3A_18 = vector.shape_cast %get3A_17 : vector<1x2048x128xf32> to vector<2048x128xf32>
    %add3A_19 = arith.addf %get3A_13, %get3A_18 : vector<2048x128xf32>
    %max3A = arith.constant 1.000000e+00 : f32
    %max3A_20 = vector.broadcast %max3A : f32 to vector<2048x1xf32>
    %max3A_21 = arith.maximumf %add3A, %max3A_20 : vector<2048x1xf32>
    %div3A = vector.broadcast %max3A_21 : vector<2048x1xf32> to vector<2048x128xf32>
    %div3A_22 = arith.divf %add3A_19, %div3A : vector<2048x128xf32>
    %get3A_23 = arith.constant 0 : index
    %get3A_24 = arith.constant 0 : index
    %get3A_25 = vector.load %arg3[%get3A_23, %get3A_24] : memref<2048x128xf32, #tpu.memory_space<vmem>>, vector<2048x128xf32>
    %get3A_26 = arith.constant 0 : index
    %get3A_27 = arith.constant 0 : index
    %get3A_28 = vector.load %arg4[%get3A_26, %get3A_27] : memref<128x128xf32, #tpu.memory_space<vmem>>, vector<128x128xf32>
    %dot_general3A = arith.constant dense<0.000000e+00> : vector<2048x128xf32>
    %dot_general3A_29 = tpu.matmul %get3A_25, %get3A_28, %dot_general3A {dimension_numbers = #tpu.dot_dimension_numbers<[1], [1], [0], [0], [0, 0, 1, 0], [], []>, transpose_lhs_hint = false} : vector<2048x128xf32>, vector<128x128xf32>, vector<2048x128xf32> -> vector<2048x128xf32>
    %add3A_30 = arith.addf %div3A_22, %dot_general3A_29 : vector<2048x128xf32>
    %get3A_31 = arith.constant 0 : index
    %get3A_32 = arith.constant 0 : index
    %get3A_33 = vector.load %arg5[%get3A_31, %get3A_32] : memref<1x128xf32, #tpu.memory_space<vmem>>, vector<1x128xf32>
    %add3A_34 = vector.broadcast %get3A_33 : vector<1x128xf32> to vector<2048x128xf32>
    %add3A_35 = arith.addf %add3A_30, %add3A_34 : vector<2048x128xf32>
    %max3A_36 = arith.constant 0.000000e+00 : f32
    %max3A_37 = vector.broadcast %max3A_36 : f32 to vector<2048x128xf32>
    %max3A_38 = arith.maximumf %add3A_35, %max3A_37 : vector<2048x128xf32>
    %get3A_39 = arith.constant 0 : index
    %get3A_40 = arith.constant 0 : index
    %get3A_41 = vector.load %arg6[%get3A_39, %get3A_40] : memref<8x128xf32, #tpu.memory_space<vmem>>, vector<8x128xf32>
    %dot_general3A_42 = arith.constant dense<0.000000e+00> : vector<2048x8xf32>
    %dot_general3A_43 = tpu.matmul %max3A_38, %get3A_41, %dot_general3A_42 {dimension_numbers = #tpu.dot_dimension_numbers<[1], [1], [0], [0], [0, 0, 1, 0], [], []>, transpose_lhs_hint = false} : vector<2048x128xf32>, vector<8x128xf32>, vector<2048x8xf32> -> vector<2048x8xf32>
    %get3A_44 = arith.constant 0 : index
    %get3A_45 = arith.constant 0 : index
    %get3A_46 = vector.load %arg7[%get3A_44, %get3A_45] : memref<1x8xf32, #tpu.memory_space<vmem>>, vector<1x8xf32>
    %add3A_47 = vector.broadcast %get3A_46 : vector<1x8xf32> to vector<2048x8xf32>
    %add3A_48 = arith.addf %dot_general3A_43, %add3A_47 : vector<2048x8xf32>
    %iota3A = tpu.iota {dimensions = array<i32: 1>} : vector<2048x8xi32>
    %lt3A = arith.constant 2 : i32
    %lt3A_49 = vector.broadcast %lt3A : i32 to vector<2048x8xi32>
    %lt3A_50 = arith.cmpi slt, %iota3A, %lt3A_49 : vector<2048x8xi32>
    %jit3A = arith.constant -1.000000e+30 : f32
    %broadcast_in_dim3A = vector.broadcast %jit3A : f32 to vector<2048x8xf32>
    %select_n3A = arith.select %lt3A_50, %add3A_48, %broadcast_in_dim3A : vector<2048x8xi1>, vector<2048x8xf32>
    %reduce_max3A = arith.constant dense<0xFF800000> : vector<2048xf32>
    %reduce_max3A_51 = vector.multi_reduction <maximumf>, %select_n3A, %reduce_max3A [1] : vector<2048x8xf32> to vector<2048xf32>
    %broadcast_in_dim3A_52 = vector.shape_cast %reduce_max3A_51 : vector<2048xf32> to vector<2048x1xf32>
    %sub3A = vector.broadcast %broadcast_in_dim3A_52 : vector<2048x1xf32> to vector<2048x8xf32>
    %sub3A_53 = arith.subf %select_n3A, %sub3A : vector<2048x8xf32>
    %exp3A = math.exp %sub3A_53 : vector<2048x8xf32>
    %reduce_sum3A = arith.constant dense<0.000000e+00> : vector<2048xf32>
    %reduce_sum3A_54 = vector.multi_reduction <add>, %exp3A, %reduce_sum3A [1] : vector<2048x8xf32> to vector<2048xf32>
    %broadcast_in_dim3A_55 = vector.shape_cast %reduce_sum3A_54 : vector<2048xf32> to vector<2048x1xf32>
    %log3A = math.log %broadcast_in_dim3A_55 : vector<2048x1xf32>
    %sub3A_56 = vector.broadcast %log3A : vector<2048x1xf32> to vector<2048x8xf32>
    %sub3A_57 = arith.subf %sub3A_53, %sub3A_56 : vector<2048x8xf32>
    %slice3A = vector.extract_strided_slice %sub3A_57 {offsets = [0, 0], sizes = [2048, 2], strides = [1, 1]} : vector<2048x8xf32> to vector<2048x2xf32>
    %swap3A = arith.constant 0 : index
    %swap3A_58 = arith.constant 0 : index
    %swap3A_59 = vector.load %arg8[%swap3A, %swap3A_58] : memref<2048x2xf32, #tpu.memory_space<vmem>>, vector<2048x2xf32>
    tpu.vector_store %arg8[%swap3A, %swap3A_58], %slice3A {strides = array<i32>} : memref<2048x2xf32, #tpu.memory_space<vmem>>, vector<2048x2xf32>,
    return
  }
  func.func @transform_0(%arg0: i32) -> (i32, i32, i32) {
    %c0_i32 = arith.constant 0 : i32
    %c0_i32_0 = arith.constant 0 : i32
    %c0_i32_1 = arith.constant 0 : i32
    return %c0_i32, %arg0, %c0_i32_0 : i32, i32, i32
  }
  func.func @transform_1(%arg0: i32) -> (i32, i32, i32) {
    %c0_i32 = arith.constant 0 : i32
    %c0_i32_0 = arith.constant 0 : i32
    %c0_i32_1 = arith.constant 0 : i32
    return %c0_i32, %arg0, %c0_i32_0 : i32, i32, i32
  }
  func.func @transform_2(%arg0: i32) -> (i32, i32) {
    %c0_i32 = arith.constant 0 : i32
    %c0_i32_0 = arith.constant 0 : i32
    return %arg0, %c0_i32 : i32, i32
  }
  func.func @transform_3(%arg0: i32) -> (i32, i32) {
    %c0_i32 = arith.constant 0 : i32
    %c0_i32_0 = arith.constant 0 : i32
    %c0_i32_1 = arith.constant 0 : i32
    return %c0_i32, %c0_i32_0 : i32, i32
  }
  func.func @transform_4(%arg0: i32) -> (i32, i32) {
    %c0_i32 = arith.constant 0 : i32
    %c0_i32_0 = arith.constant 0 : i32
    %c0_i32_1 = arith.constant 0 : i32
    return %c0_i32, %c0_i32_0 : i32, i32
  }
  func.func @transform_5(%arg0: i32) -> (i32, i32) {
    %c0_i32 = arith.constant 0 : i32
    %c0_i32_0 = arith.constant 0 : i32
    %c0_i32_1 = arith.constant 0 : i32
    return %c0_i32, %c0_i32_0 : i32, i32
  }
  func.func @transform_6(%arg0: i32) -> (i32, i32) {
    %c0_i32 = arith.constant 0 : i32
    %c0_i32_0 = arith.constant 0 : i32
    %c0_i32_1 = arith.constant 0 : i32
    return %c0_i32, %c0_i32_0 : i32, i32
  }
  func.func @transform_7(%arg0: i32) -> (i32, i32) {
    %c0_i32 = arith.constant 0 : i32
    %c0_i32_0 = arith.constant 0 : i32
    return %arg0, %c0_i32 : i32, i32
  }
}

</mosaic_0001>

<sc_bundles>
// kernel: kernel.10.cloned.1.call-start
scs
__scs_entry_jumppad:
0x0: {  	(pc) =	sbr.rel $0x88, $3  }
0x1: {  	(tag) =	ssettag $0x0;
	lr =	simm.s32 $0x1  }
0x2: {  	[smem:$0x3F97] =	sst lr;
	_ =	strace $0xD0000000  }
0x3: {  	_ = 	snop  }
0x4: {  	_ = 	snop  }
0x5: {  	_ = 	snop  }
0x6: {  	_ = 	snop  }
0x7: {  	_ = 	snop  }
__scs_overlays_trampoline_lowered:
0x8: {  	[smem:$0x3FA6] =	sst s0  }
0x9: {  	[smem:$0x3FA7] =	sst s1  }
0xa: {  	[smem:$0x3FA8] =	sst s2  }
0xb: {  	[smem:$0x3FA9] =	sst s3  }
0xc: {  	[smem:$0x3FAA] =	sst s4  }
0xd: {  	[smem:$0x3FAB] =	sst s5  }
0xe: {  	[smem:$0x3FAC] =	sst s6  }
0xf: {  	[smem:$0x3FAD] =	sst s7  }
0x10: {  	[smem:$0x3FAE] =	sst s8  }
0x11: {  	[smem:$0x3FAF] =	sst s9;
	s0 =	simm.s32 @!p0 $0x0  }
0x12: {  	s1 =	sld [smem:$0x3F95];
	s0 =	simm.s32 @p0 $0x1  }
0x13: {  	[smem:$0x3FB0] =	sst s0;
	s0 =	simm.s32 @!p1 $0x0  }
0x14: {  	s2 =	sld [smem:$0x3F94];
	s0 =	simm.s32 @p1 $0x1  }
0x15: {  	[smem:$0x3FB1] =	sst s0;
	s0 =	simm.s32 @!p2 $0x0  }
0x16: {  	s3 =	sld [smem:$0x3FDB];
	s0 =	simm.s32 @p2 $0x1  }
0x17: {  	s4 =	simm.s32 $0x1BF5;
	[smem:$0x3FB3] =	sst s0  }
0x18: {  	s0 =	sld [smem:$0x3F96];
	_ =	swait.ge [sflag:s4], $0x0  }
0x19: {  	s7 =	sld [smem:$0x3F97]  }
0x1a: {  	s8 =	sadd.s32 $0xFFFFE003, lr  }
0x1b: {  	s9 =	sadd.s32 $0xFFFFFEF7, lr;
	s5 =	simm.s32 $0xFFFFFFFF;
	p2 =	slt.u32 s8, $0xFFFFF086  }
0x1c: {  	p1 =	slt.u32 s9, $0xF7A;
	s5 =	simm.s32 @!p2 $0x0  }
0x1d: {  	s5 =	simm.s32 @p1 $0x1;
	p0 =	seq.s32 s7, s2  }
0x1e: {  	s7 =	smul.u32 @!p0 $0xF7A, s2;
	p2 =	seq.s32 @!p0 s5, $0x0  }
0x1f: {  	s9 =	smul.u32 $0xF7A, s1;
	s8 =	simm.s32 @!p0 $0x1BF5;
	p2 =	por !p2, p0  }
0x20: {  	[sflag:s8] =	ssyncset.s32 @!p0 $0xFFFFF086;
	s6 =	sadd.s32 @!p0 s3, s7;
	s7 =	simm.s32 @!p0 $0x108  }
0x21: {  	s3 =	sadd.s32 s3, s9;
	s6 =	sadd.s32 @!p0 $0x88, s6;
	s7 =	simm.s32 @p2 $0x1082  }
0x22: {  	[simem:s7], [sflag:s8] =	dma.local @!p0 [hbm:s6], $0xF7A  }
0x23: {  	s9 =	sor.u32 $0xD0000000, s2;
	s6 =	simm.s32 $0x108;
	_ =	swait.ge @!p0 [sflag:s8], $0x0  }
0x24: {  	s3 =	sadd.s32 $0x88, s3;
	s6 =	simm.s32 @!p1 $0x1082;
	[sflag:s4] =	ssyncset.s32 $0xFFFFF086  }
0x25: {  	[simem:s6], [sflag:s4] =	dma.local [hbm:s3], $0xF7A  }
0x26: {  	[smem:$0x3F97] =	sst s1;
	(tag) =	ssettag s2;
	_ =	strace s9  }
0x27: {  	s1 =	sld [smem:$0x3FA7]  }
0x28: {  	s2 =	sld [smem:$0x3FA8]  }
0x29: {  	s4 =	sld [smem:$0x3FAA]  }
0x2a: {  	p0 =	seq.s32 s5, $0x0;
	s5 =	sld [smem:$0x3FAB]  }
0x2b: {  	s6 =	sld [smem:$0x3FAC]  }
0x2c: {  	s7 =	sld [smem:$0x3FAD]  }
0x2d: {  	s3 =	simm.s32 $0x108;
	s8 =	sld [smem:$0x3FAE]  }
0x2e: {  	s3 =	simm.s32 @!p0 $0x1082;
	s9 =	sld [smem:$0x3FAF]  }
0x2f: {  	lr =	sadd.s32 s0, s3;
	s0 =	sld [smem:$0x3FA6]  }
0x30: {  	s3 =	sld [smem:$0x3FA9]  }
0x31: {  	[smem:$0x3FB2] =	sst s10  }
0x32: {  	s10 =	sld [smem:$0x3FB0];
	_ =	sdelay $0x3  }
0x33: {  	p0 =	seq.s32 s10, $0x1;
	s10 =	sld [smem:$0x3FB2];
	_ =	sdelay $0x3  }
0x34: {  	[smem:$0x3FB2] =	sst s10  }
0x35: {  	s10 =	sld [smem:$0x3FB1];
	_ =	sdelay $0x3  }
0x36: {  	p1 =	seq.s32 s10, $0x1;
	s10 =	sld [smem:$0x3FB2];
	_ =	sdelay $0x3  }
0x37: {  	[smem:$0x3FB2] =	sst s10  }
0x38: {  	s10 =	sld [smem:$0x3FB3]  }
0x39: {  	_ = 	snop;
	(pc) =	sbr.ind lr, $3  }
0x3a: {  	_ = 	snop  }
0x3b: {  	_ = 	snop  }
0x3c: {  	p2 =	seq.s32 s10, $0x1;
	s10 =	sld [smem:$0x3FB2]  }
0x3d: {  	_ =	shalt  }
0x3e: {  	_ =	shalt  }
0x3f: {  	_ =	shalt  }
0x40: {  	_ =	shalt  }
0x41: {  	_ =	shalt  }
0x42: {  	_ =	shalt  }
0x43: {  	_ =	shalt  }
0x44: {  	_ =	shalt  }
0x45: {  	_ =	shalt  }
0x46: {  	_ =	shalt  }
0x47: {  	_ =	shalt  }
0x48: {  	_ =	shalt  }
0x49: {  	_ =	shalt  }
0x4a: {  	_ =	shalt  }
0x4b: {  	_ =	shalt  }
0x4c: {  	_ =	shalt  }
0x4d: {  	_ =	shalt  }
0x4e: {  	_ =	shalt  }
0x4f: {  	_ =	shalt  }
0x50: {  	_ =	shalt  }
0x51: {  	_ =	shalt  }
0x52: {  	_ =	shalt  }
0x53: {  	_ =	shalt  }
0x54: {  	_ =	shalt  }
0x55: {  	_ =	shalt  }
0x56: {  	_ =	shalt  }
0x57: {  	_ =	shalt  }
0x58: {  	_ =	shalt  }
0x59: {  	_ =	shalt  }
0x5a: {  	_ =	shalt  }
0x5b: {  	_ =	shalt  }
0x5c: {  	_ =	shalt  }
0x5d: {  	_ =	shalt  }
0x5e: {  	_ =	shalt  }
0x5f: {  	_ =	shalt  }
0x60: {  	_ =	shalt  }
0x61: {  	_ =	shalt  }
0x62: {  	_ =	shalt  }
0x63: {  	_ =	shalt  }
0x64: {  	_ =	shalt  }
0x65: {  	_ =	shalt  }
0x66: {  	_ =	shalt  }
0x67: {  	_ =	shalt  }
0x68: {  	_ =	shalt  }
0x69: {  	_ =	shalt  }
0x6a: {  	_ =	shalt  }
0x6b: {  	_ =	shalt  }
0x6c: {  	_ =	shalt  }
0x6d: {  	_ =	shalt  }
0x6e: {  	_ =	shalt  }
0x6f: {  	_ =	shalt  }
0x70: {  	_ =	shalt  }
0x71: {  	_ =	shalt  }
0x72: {  	_ =	shalt  }
0x73: {  	_ =	shalt  }
0x74: {  	_ =	shalt  }
0x75: {  	_ =	shalt  }
0x76: {  	_ =	shalt  }
0x77: {  	_ =	shalt  }
0x78: {  	_ =	shalt  }
0x79: {  	_ =	shalt  }
0x7a: {  	_ =	shalt  }
0x7b: {  	_ =	shalt  }
0x7c: {  	_ =	shalt  }
0x7d: {  	_ =	shalt  }
0x7e: {  	_ =	shalt  }
0x7f: {  	_ =	shalt  }
0x80: {  	_ =	shalt  }
0x81: {  	_ =	shalt  }
0x82: {  	_ =	shalt  }
0x83: {  	_ =	shalt  }
0x84: {  	_ =	shalt  }
0x85: {  	_ =	shalt  }
0x86: {  	_ =	shalt  }
0x87: {  	_ =	shalt  }
.Lfunc_end0:
.L_simem_size_0:
called_computation.1_lowered:
.L_overlay_start_0:
0x88: {  	s2 =	sld [smem:$0x3FD9]  }
0x89: {  	s3 =	sld [smem:$0x3FFE];
	_ =	sdelay $0x1  }
0x8a: {  	s1 =	srdreg.scid  }
0x8b: {  	s0 =	sand.u32 $0x1, s1  }
0x8c: {  	s16 =	sshll.u32 s0, $0xA;
	s2 =	sadd.s32 s3, s2  }
0x8d: {  	s2 =	sadd.s32 s2, s16  }
0x8e: {  	[smem:$0x3FBE] =	sst s2  }
0x8f: {  	_ = 	snop  }
0x90: {  	(tm) =	ssettm $0x1  }
0x91: {  	s17 =	sld [smem:$0x3FFB];
	_ =	sdelay $0x3  }
0x92: {  	_ =	strace s17  }
0x93: {  	s2 =	sld [smem:$0x3FFC];
	_ =	sdelay $0x3  }
0x94: {  	_ =	strace s2  }
0x95: {  	s2 =	sld [smem:$0x3FFD];
	_ =	sdelay $0x3  }
0x96: {  	_ =	strace s2  }
0x97: {  	_ =	strace $0x8FFFFFFF  }
0x98: {  	s18 =	sld [smem:$0x3FDB];
	_ =	sdelay $0x1  }
0x99: {  	s19 =	simm.s32 $_scs_section_size  }
0x9a: {  	s4 =	simm.s32 $_size__tile_overlayer_lowered;
	s5 =	simm.s32 $_tile_overlayer_lowered  }
0x9b: {  	s22 =	simm.s32 $0x1BFF;
	s21 =	sshll.u32 s5, $0x1;
	s2 =	sadd.s32 s19, s18  }
0x9c: {  	s6 =	simm.s32 $0x0;
	s20 =	sshll.u32 s4, $0x1;
	s4 =	sadd.s32 s21, s2  }
0x9d: {  	[timem:s6], [sflag:s22] =	dma.local [hbm:s4], s20  }
0x9e: {  	_ =	swait.ge [sflag:s22], s20  }
0x9f: {  	s3 =	ssub.s32 $0x0, s20;
	[sflag:s22] =	ssyncset.done $0x0  }
0xa0: {  	[sflag:s22] =	ssyncadd.s32 s3;
	_ =	sdelay $0x1  }
0xa1: {  	s23 =	simm.s32 $0x1B8B  }
0xa2: {  	_ =	swait.ge [sflag:s23], $0x1  }
0xa3: {  	[sflag:s23] =	ssyncset.done $0x0  }
0xa4: {  	s25 =	simm.s32 $0x1B8E;
	s24 =	sld [smem:$0x3FFE];
	[sflag:s23] =	ssyncadd.s32 $0xFFFFFFFF  }
0xa5: {  	s26 =	simm.s32 $execute0_lowered;
	[smem:$0x3FD2] =	sst s25  }
0xa6: {  	s4 =	sshll.u32 s26, $0x1;
	_ =	strace $0x80000049;
	[dreg:$0x1] =	wrdreg $0xFFFFFFFF  }
0xa7: {  	s28 =	simm.s32 $_size_execute0_lowered;
	s2 =	sadd.s32 s2, s4;
	[dreg:$0x0] =	wrdreg $0x0  }
0xa8: {  	s4 =	sshll.u32 s28, $0x1;
	[dreg:$0x2] =	wrdreg s2  }
0xa9: {  	[dreg:$0x3] =	wrdreg s4  }
0xaa: {  	[dreg:$0x4] =	wrdreg $0xC0  }
0xab: {  	_ =	task [dreg:s6], $0x5FFFF  }
0xac: {  	[dreg:$0x1] =	wrdreg $0xFFFFFFFF  }
0xad: {  	[dreg:$0x0] =	wrdreg $0x60  }
0xae: {  	[dreg:$0x2] =	wrdreg s24  }
0xaf: {  	[dreg:$0x3] =	wrdreg $0xA8000  }
0xb0: {  	[dreg:$0x4] =	wrdreg $0x9  }
0xb1: {  	_ =	task.clear_ibuf [dreg:s6], $0x5FFFF;
	_ =	strace $0x90000049  }
0xb2: {  	s29 =	simm.s32 $0x9;
	_ =	strace $0x8000004B  }
0xb3: {  	_ =	swait.ge [sflag:s29], $0x1  }
0xb4: {  	[sflag:s29] =	ssyncadd.s32 $0xFFFFFFFF  }
0xb5: {  	_ =	strace $0x9000004B  }
0xb6: {  	_ =	sfence  }
0xb7: {  	s30 =	sld [smem:$0x0];
	_ =	sdelay $0x2  }
0xb8: {  	s31 =	sshll.u32 s1, $0xD;
	s1 =	sshrl.u32 s1, $0x2  }
0xb9: {  	s3 =	sand.u32 $0x4000, s31;
	s1 =	sadd.s32 s1, s30  }
0xba: {  	s0 =	sor.u32 s3, s0;
	s1 =	sshll.u32 s1, $0x11  }
0xbb: {  	s0 =	sor.u32 s1, s0  }
0xbc: {  	s0 =	sadd.s32 $0x8F2B, s0  }
0xbd: {  	[sflag:s0] =	ssyncadd.remote.s32 $0x1  }
0xbe: {  	_ =	sfence.sel $0xFFFF  }
0xbf: {  	[dreg:$0x0] =	wrdreg $0xFFFFFFFF;
	(pc) =	sbr.abs _section_cstart, $3  }
0xc0: {  	[dreg:$0x1] =	wrdreg $0xFFFFFFFF  }
0xc1: {  	_ =	task.clear_ibuf [dreg:s6], $0x2FFFF;
	_ =	strace $0x9FFFFFFF  }
0xc2: {  	(tm) =	ssettm $0x7FFFFFFF  }
0xc3: {  	_ =	shalt  }
tec
execute0_lowered:
.L_overlay_start_1:
0x0: {  	(tag) =	ssettag $0x1  }
0x1: {  	s1 =	srdreg.scid;
	s5 =	rddreg [dreg:$0x0]  }
0x2: {  	s0 =	stileid.u32;
	s2 =	rddreg [dreg:$0x1];
	s3 =	simm.s32 $0x0  }
0x3: {  	s14 =	simm.s32 $0x2800;
	s15 =	simm.s32 $0x6800;
	s16 =	simm.s32 $0x1  }
0x4: {  	s17 =	simm.s32 $0x3;
	s18 =	simm.s32 $0x2;
	s19 =	simm.s32 $0x4  }
0x5: {  	s20 =	simm.s32 $0x2700;
	s21 =	simm.s32 $0x2780;
	s6 =	sand.u32 $0x1, s1  }
0x6: {  	s28 =	sshll.u32 s0, $0x1;
	s1 =	rddreg [dreg:$0x2];
	s24 =	smul.u32 $0x2800, s0  }
0x7: {  	[smem:$0x7FF] =	sst s3;
	s9 =	smul.u32 $0x50000, s0;
	s31 =	sshll.u32 s0, $0x6  }
0x8: {  	s4 =	sor.u32 s6, s28;
	_ =	strace $0x8000004A;
	s8 =	smul.u32 $0x28000, s6  }
0x9: {  	s6 =	ssub.s32 $0x2, s6;
	s7 =	smul.u32 $0x500, s4;
	s4 =	sadd.s32 $0x2000, s5  }
0xa: {  	s29 =	sadd.s32 s24, s5;
	s11 =	sshrl.u32 s6, $0x1;
	s30 =	sshrl.u32 s9, $0x2  }
0xb: {  	s12 =	sadd.s32 s8, s5;
	s11 =	ssub.s32 s6, s11;
	s13 =	sadd.s32 s30, s2  }
0xc: {  	s6 =	sor.u32 $0x1C05, s31;
	s10 =	sadd.s32 s7, s5;
	s5 =	sadd.s32 $0x3E000, s29  }
0xd: {  	s25 =	sadd.s32 $0x66000, s12;
	s9 =	smax.u32 s11, $0x1;
	s11 =	simm.s32 $0x5  }
0xe: {  	s12 =	simm.s32 $0x1400;
	s7 =	sadd.s32 $0x34000, s10;
	s8 =	sadd.s32 $0x2A000, s10  }
0xf: {  	s10 =	sshrl.u32 s13, $0x3;
	s13 =	simm.s32 $0x80;
	s24 =	sadd.s32 s24, s25  }
0x10: {  	s25 =	simm.s32 $0x0;
	s22 =	sadd.s32 $0x280, s7;
	s23 =	sadd.s32 $0x280, s8  }
.LBB2_1:
0x11: {  	[spmem:s10], [sflag:s6] =	dma.local [hbm:s5], $0x2800  }
0x12: {  	_ =	swait.ge [sflag:s11], $0x2800  }
0x13: {  	[sflag:s11] =	ssyncset.done $0x0  }
0x14: {  	[sflag:s11] =	ssyncadd.s32 $0xFFFFD800  }
0x15: {  	[bflag:$0x0] =	sbarrier.arrive $0xFFFF  }
0x16: {  	[tilespmem:s3], [sflag:$0x5] =	stream.linear.gather [hbm4b:s7+s3], $0x1400, $0x38;
	[tilespmem:$0x1E800] =	vst v63  }
0x17: {  	_ =	swait.ge [sflag:s11], $0x1400  }
0x18: {  	[sflag:s11] =	ssyncset.done $0x0  }
0x19: {  	[sflag:s11] =	ssyncadd.s32 $0xFFFFEC00  }
0x1a: {  	[tilespmem:s12], [sflag:$0x5] =	stream.linear.gather [hbm4b:s8+s3], $0x1400, $0x38;
	[tilespmem:$0x1E800] =	vst v63  }
0x1b: {  	_ =	swait.ge [sflag:s11], $0x1400  }
0x1c: {  	[sflag:s11] =	ssyncset.done $0x0  }
0x1d: {  	[sflag:s11] =	ssyncadd.s32 $0xFFFFEC00  }
0x1e: {  	[tilespmem:s14], [sflag:$0x1] =	stream.indirect.gather [hbm4b:s4+s13], $0x80, s3, s13, $0xb8;
	[tilespmem:$0x1E800] =	vst v63  }
0x1f: {  	_ = 	snop  }
0x20: {  	[tilespmem:s15], [sflag:$0x2] =	stream.indirect.gather [hbm4b:s4+s13], $0x80, s13, s13, $0xb8;
	[tilespmem:$0x1E800] =	vst v63  }
0x21: {  	_ =	swait.ge [sflag:s16], $0x4000  }
0x22: {  	[sflag:s16] =	ssyncset.done $0x0  }
0x23: {  	s26 =	simm.s32 $0x1400;
	[sflag:s16] =	ssyncadd.s32 $0xFFFFC000  }
0x24: {  	[spmem:s2] =	stream.indirect.scatter.add.f32 [tilespmem:s14], [sflag:$0x3], $0x80, s26, s13, $0xb8;
	[tilespmem:$0x1E800] =	vst v63  }
0x25: {  	_ =	swait.ge [sflag:s17], $0x4000  }
0x26: {  	[sflag:s17] =	ssyncset.done $0x0  }
0x27: {  	s30 =	simm.s32 $0x100;
	[sflag:s17] =	ssyncadd.s32 $0xFFFFC000  }
0x28: {  	[tilespmem:s14], [sflag:$0x1] =	stream.indirect.gather [hbm4b:s4+s13], $0x80, s30, s13, $0xb8;
	[tilespmem:$0x1E800] =	vst v63  }
0x29: {  	_ =	swait.ge [sflag:s18], $0x4000  }
0x2a: {  	[sflag:s18] =	ssyncset.done $0x0  }
0x2b: {  	s31 =	simm.s32 $0x1480;
	[sflag:s18] =	ssyncadd.s32 $0xFFFFC000  }
0x2c: {  	[spmem:s2] =	stream.indirect.scatter.add.f32 [tilespmem:s15], [sflag:$0x4], $0x80, s31, s13, $0xb8;
	[tilespmem:$0x1E800] =	vst v63  }
0x2d: {  	_ =	swait.ge [sflag:s19], $0x4000  }
0x2e: {  	[sflag:s19] =	ssyncset.done $0x0  }
0x2f: {  	s28 =	simm.s32 $0x180;
	s26 =	simm.s32 $0x400;
	[sflag:s19] =	ssyncadd.s32 $0xFFFFC000  }
.LBB2_2:
0x30: {  	[tilespmem:s15], [sflag:$0x2] =	stream.indirect.gather [hbm4b:s4+s13], $0x80, s28, s13, $0xb8;
	[tilespmem:$0x1E800] =	vst v63  }
0x31: {  	s28 =	smov.u32 s26  }
0x32: {  	p0 =	sne.s32 s26, $0x4800;
	s26 =	sadd.s32 $0x400, s26;
	_ =	swait.ge [sflag:s16], $0x4000  }
0x33: {  	s28 =	sshra.s32 s28, $0x2;
	[sflag:s16] =	ssyncset.done $0x0  }
0x34: {  	s29 =	sadd.s32 $0x1400, s28;
	[sflag:s16] =	ssyncadd.s32 $0xFFFFC000  }
0x35: {  	[spmem:s2] =	stream.indirect.scatter.add.f32 [tilespmem:s14], [sflag:$0x3], $0x80, s29, s13, $0xb8;
	[tilespmem:$0x1E800] =	vst v63  }
0x36: {  	_ =	swait.ge [sflag:s17], $0x4000  }
0x37: {  	[sflag:s17] =	ssyncset.done $0x0  }
0x38: {  	s29 =	sadd.s32 $0x100, s28;
	[sflag:s17] =	ssyncadd.s32 $0xFFFFC000  }
0x39: {  	[tilespmem:s14], [sflag:$0x1] =	stream.indirect.gather [hbm4b:s4+s13], $0x80, s29, s13, $0xb8;
	[tilespmem:$0x1E800] =	vst v63  }
0x3a: {  	_ =	swait.ge [sflag:s18], $0x4000  }
0x3b: {  	[sflag:s18] =	ssyncset.done $0x0  }
.Ltmp0:
0x3c: {  	s29 =	sadd.s32 $0x1480, s28;
	[sflag:s18] =	ssyncadd.s32 $0xFFFFC000;
	(pc) =	sbr.rel @p0 .LBB2_2-.Ltmp0, $4  }
0x3d: {  	[spmem:s2] =	stream.indirect.scatter.add.f32 [tilespmem:s15], [sflag:$0x4], $0x80, s29, s13, $0xb8;
	[tilespmem:$0x1E800] =	vst v63  }
0x3e: {  	_ =	swait.ge [sflag:s19], $0x4000  }
0x3f: {  	[sflag:s19] =	ssyncset.done $0x0  }
0x40: {  	s28 =	sadd.s32 $0x180, s28;
	[sflag:s19] =	ssyncadd.s32 $0xFFFFC000  }
0x41: {  	[tilespmem:s15], [sflag:$0x2] =	stream.indirect.gather [hbm4b:s4+s13], $0x80, s28, s13, $0xb8;
	[tilespmem:$0x1E800] =	vst v63  }
0x42: {  	_ =	swait.ge [sflag:s16], $0x4000  }
0x43: {  	[sflag:s16] =	ssyncset.done $0x0  }
0x44: {  	[sflag:s16] =	ssyncadd.s32 $0xFFFFC000  }
0x45: {  	[spmem:s2] =	stream.indirect.scatter.add.f32 [tilespmem:s14], [sflag:$0x3], $0x80, s20, s13, $0xb8;
	[tilespmem:$0x1E800] =	vst v63  }
0x46: {  	_ =	swait.ge [sflag:s17], $0x4000  }
0x47: {  	[sflag:s17] =	ssyncset.done $0x0  }
0x48: {  	[sflag:s17] =	ssyncadd.s32 $0xFFFFC000  }
0x49: {  	_ =	swait.ge [sflag:s18], $0x4000  }
0x4a: {  	[sflag:s18] =	ssyncset.done $0x0  }
0x4b: {  	[sflag:s18] =	ssyncadd.s32 $0xFFFFC000  }
0x4c: {  	[spmem:s2] =	stream.indirect.scatter.add.f32 [tilespmem:s15], [sflag:$0x4], $0x80, s21, s13, $0xb8;
	[tilespmem:$0x1E800] =	vst v63  }
0x4d: {  	_ =	swait.ge [sflag:s19], $0x4000  }
0x4e: {  	[sflag:s19] =	ssyncset.done $0x0  }
0x4f: {  	s26 =	simm.s32 $0x0;
	[sflag:s19] =	ssyncadd.s32 $0xFFFFC000  }
0x50: {  	[tilespmem:s26], [sflag:$0x5] =	stream.linear.gather [hbm4b:s22+s26], $0x1400, $0x38;
	[tilespmem:$0x1E800] =	vst v63  }
0x51: {  	_ =	swait.ge [sflag:s11], $0x1400  }
0x52: {  	[sflag:s11] =	ssyncset.done $0x0  }
0x53: {  	[sflag:s11] =	ssyncadd.s32 $0xFFFFEC00  }
0x54: {  	[tilespmem:s12], [sflag:$0x5] =	stream.linear.gather [hbm4b:s23+s26], $0x1400, $0x38;
	[tilespmem:$0x1E800] =	vst v63  }
0x55: {  	_ =	swait.ge [sflag:s11], $0x1400  }
0x56: {  	[sflag:s11] =	ssyncset.done $0x0  }
0x57: {  	[sflag:s11] =	ssyncadd.s32 $0xFFFFEC00  }
0x58: {  	[tilespmem:s14], [sflag:$0x1] =	stream.indirect.gather [hbm4b:s4+s13], $0x80, s26, s13, $0xb8;
	[tilespmem:$0x1E800] =	vst v63  }
0x59: {  	_ = 	snop  }
0x5a: {  	[tilespmem:s15], [sflag:$0x2] =	stream.indirect.gather [hbm4b:s4+s13], $0x80, s13, s13, $0xb8;
	[tilespmem:$0x1E800] =	vst v63  }
0x5b: {  	_ =	swait.ge [sflag:s16], $0x4000  }
0x5c: {  	[sflag:s16] =	ssyncset.done $0x0  }
0x5d: {  	s29 =	simm.s32 $0x1400;
	[sflag:s16] =	ssyncadd.s32 $0xFFFFC000  }
0x5e: {  	[spmem:s2] =	stream.indirect.scatter.add.f32 [tilespmem:s14], [sflag:$0x3], $0x80, s29, s13, $0xb8;
	[tilespmem:$0x1E800] =	vst v63  }
0x5f: {  	_ =	swait.ge [sflag:s17], $0x4000  }
0x60: {  	[sflag:s17] =	ssyncset.done $0x0  }
0x61: {  	s30 =	simm.s32 $0x100;
	[sflag:s17] =	ssyncadd.s32 $0xFFFFC000  }
0x62: {  	[tilespmem:s14], [sflag:$0x1] =	stream.indirect.gather [hbm4b:s4+s13], $0x80, s30, s13, $0xb8;
	[tilespmem:$0x1E800] =	vst v63  }
0x63: {  	_ =	swait.ge [sflag:s18], $0x4000  }
0x64: {  	[sflag:s18] =	ssyncset.done $0x0  }
0x65: {  	s31 =	simm.s32 $0x1480;
	[sflag:s18] =	ssyncadd.s32 $0xFFFFC000  }
0x66: {  	[spmem:s2] =	stream.indirect.scatter.add.f32 [tilespmem:s15], [sflag:$0x4], $0x80, s31, s13, $0xb8;
	[tilespmem:$0x1E800] =	vst v63  }
0x67: {  	_ =	swait.ge [sflag:s19], $0x4000  }
0x68: {  	[sflag:s19] =	ssyncset.done $0x0  }
0x69: {  	s28 =	simm.s32 $0x180;
	s26 =	simm.s32 $0x400;
	[sflag:s19] =	ssyncadd.s32 $0xFFFFC000  }
.LBB2_4:
0x6a: {  	[tilespmem:s15], [sflag:$0x2] =	stream.indirect.gather [hbm4b:s4+s13], $0x80, s28, s13, $0xb8;
	[tilespmem:$0x1E800] =	vst v63  }
0x6b: {  	s28 =	smov.u32 s26  }
0x6c: {  	p0 =	sne.s32 s26, $0x4800;
	s26 =	sadd.s32 $0x400, s26;
	_ =	swait.ge [sflag:s16], $0x4000  }
0x6d: {  	s28 =	sshra.s32 s28, $0x2;
	[sflag:s16] =	ssyncset.done $0x0  }
0x6e: {  	s29 =	sadd.s32 $0x1400, s28;
	[sflag:s16] =	ssyncadd.s32 $0xFFFFC000  }
0x6f: {  	[spmem:s2] =	stream.indirect.scatter.add.f32 [tilespmem:s14], [sflag:$0x3], $0x80, s29, s13, $0xb8;
	[tilespmem:$0x1E800] =	vst v63  }
0x70: {  	_ =	swait.ge [sflag:s17], $0x4000  }
0x71: {  	[sflag:s17] =	ssyncset.done $0x0  }
0x72: {  	s29 =	sadd.s32 $0x100, s28;
	[sflag:s17] =	ssyncadd.s32 $0xFFFFC000  }
0x73: {  	[tilespmem:s14], [sflag:$0x1] =	stream.indirect.gather [hbm4b:s4+s13], $0x80, s29, s13, $0xb8;
	[tilespmem:$0x1E800] =	vst v63  }
0x74: {  	_ =	swait.ge [sflag:s18], $0x4000  }
0x75: {  	[sflag:s18] =	ssyncset.done $0x0  }
.Ltmp1:
0x76: {  	s29 =	sadd.s32 $0x1480, s28;
	[sflag:s18] =	ssyncadd.s32 $0xFFFFC000;
	(pc) =	sbr.rel @p0 .LBB2_4-.Ltmp1, $4  }
0x77: {  	[spmem:s2] =	stream.indirect.scatter.add.f32 [tilespmem:s15], [sflag:$0x4], $0x80, s29, s13, $0xb8;
	[tilespmem:$0x1E800] =	vst v63  }
0x78: {  	_ =	swait.ge [sflag:s19], $0x4000  }
0x79: {  	[sflag:s19] =	ssyncset.done $0x0  }
0x7a: {  	s28 =	sadd.s32 $0x180, s28;
	[sflag:s19] =	ssyncadd.s32 $0xFFFFC000  }
0x7b: {  	[tilespmem:s15], [sflag:$0x2] =	stream.indirect.gather [hbm4b:s4+s13], $0x80, s28, s13, $0xb8;
	[tilespmem:$0x1E800] =	vst v63  }
0x7c: {  	_ =	swait.ge [sflag:s16], $0x4000  }
0x7d: {  	[sflag:s16] =	ssyncset.done $0x0  }
0x7e: {  	[sflag:s16] =	ssyncadd.s32 $0xFFFFC000  }
0x7f: {  	[spmem:s2] =	stream.indirect.scatter.add.f32 [tilespmem:s14], [sflag:$0x3], $0x80, s20, s13, $0xb8;
	[tilespmem:$0x1E800] =	vst v63  }
0x80: {  	_ =	swait.ge [sflag:s17], $0x4000  }
0x81: {  	[sflag:s17] =	ssyncset.done $0x0  }
0x82: {  	[sflag:s17] =	ssyncadd.s32 $0xFFFFC000  }
0x83: {  	_ =	swait.ge [sflag:s18], $0x4000  }
0x84: {  	[sflag:s18] =	ssyncset.done $0x0  }
0x85: {  	[sflag:s18] =	ssyncadd.s32 $0xFFFFC000  }
0x86: {  	[spmem:s2] =	stream.indirect.scatter.add.f32 [tilespmem:s15], [sflag:$0x4], $0x80, s21, s13, $0xb8;
	[tilespmem:$0x1E800] =	vst v63  }
0x87: {  	_ =	swait.ge [sflag:s19], $0x4000  }
0x88: {  	s25 =	sadd.s32 $0x1, s25;
	[sflag:s19] =	ssyncset.done $0x0  }
0x89: {  	p0 =	sne.s32 s25, s9;
	[sflag:s19] =	ssyncadd.s32 $0xFFFFC000  }
.Ltmp2:
0x8a: {  	[bflag:$0x0] =	sbarrier.arrive $0xFFFF;
	(pc) =	sbr.rel @p0 .LBB2_1-.Ltmp2, $4  }
0x8b: {  	[hbm:s24], [sflag:s6] =	dma.local [spmem:s10], $0x2800  }
0x8c: {  	_ =	swait.ge [sflag:s11], $0x2800  }
0x8d: {  	[sflag:s11] =	ssyncset.done $0x0  }
0x8e: {  	[sflag:s11] =	ssyncadd.s32 $0xFFFFD800  }
0x8f: {  	_ =	sfence.sel $0x180000  }
0x90: {  	[bflag:$0x0] =	sbarrier.arrive $0xFFFF  }
0x91: {  	p0 =	sne.s32 s0, $0x0;
	_ =	strace $0x9000004A  }
0x92: {  	s0 =	sadd.s32 @!p0 $0x100000, s1;
	[bflag:$0x2] =	sbarrier.arrive $0xFFFF  }
0x93: {  	[sflag:s0] =	ssyncadd.tile.s32 @!p0 $0x1;
	_ =	shalt  }
.Lfunc_end2:
_tile_overlayer_lowered:
.L_overlay_start_2:
0x94: {  	(tag) =	ssettag $0x2  }
0x95: {  	s0 =	rddreg [dreg:$0x0];
	s2 =	stileid.u32  }
0x96: {  	s1 =	rddreg [dreg:$0x1];
	p0 =	sne.s32 s2, $0x0  }
0x97: {  	s3 =	rddreg [dreg:$0x2];
	[bflag:$0x3] =	sbarrier.arrive $0xFFFF;
	s2 =	simm.s32 @!p0 $0x1C05  }
0x98: {  	[timem:s3], [sflag:s2] =	dma.local @!p0 [hbm:s0], s1  }
0x99: {  	s0 =	simm.s32 @!p0 $0x5  }
0x9a: {  	_ =	swait.ge @!p0 [sflag:s0], s1  }
0x9b: {  	s1 =	ssub.s32 @!p0 $0x0, s1;
	[sflag:s0] =	ssyncset.done @!p0 $0x0  }
0x9c: {  	[sflag:s0] =	ssyncadd.s32 @!p0 s1  }
0x9d: {  	[bflag:$0x3] =	sbarrier.arrive $0xFFFF  }
0x9e: {  	_ =	shalt  }

// kernel: kernel.7.cloned.1.call-start
scs
__scs_entry_jumppad:
0x0: {  	(pc) =	sbr.rel $0x88, $3  }
0x1: {  	(tag) =	ssettag $0x0;
	lr =	simm.s32 $0x1  }
0x2: {  	[smem:$0x3F97] =	sst lr;
	_ =	strace $0xD0000000  }
0x3: {  	_ = 	snop  }
0x4: {  	_ = 	snop  }
0x5: {  	_ = 	snop  }
0x6: {  	_ = 	snop  }
0x7: {  	_ = 	snop  }
__scs_overlays_trampoline_lowered:
0x8: {  	[smem:$0x3FA6] =	sst s0  }
0x9: {  	[smem:$0x3FA7] =	sst s1  }
0xa: {  	[smem:$0x3FA8] =	sst s2  }
0xb: {  	[smem:$0x3FA9] =	sst s3  }
0xc: {  	[smem:$0x3FAA] =	sst s4  }
0xd: {  	[smem:$0x3FAB] =	sst s5  }
0xe: {  	[smem:$0x3FAC] =	sst s6  }
0xf: {  	[smem:$0x3FAD] =	sst s7  }
0x10: {  	[smem:$0x3FAE] =	sst s8  }
0x11: {  	[smem:$0x3FAF] =	sst s9;
	s0 =	simm.s32 @!p0 $0x0  }
0x12: {  	s1 =	sld [smem:$0x3F95];
	s0 =	simm.s32 @p0 $0x1  }
0x13: {  	[smem:$0x3FB0] =	sst s0;
	s0 =	simm.s32 @!p1 $0x0  }
0x14: {  	s2 =	sld [smem:$0x3F94];
	s0 =	simm.s32 @p1 $0x1  }
0x15: {  	[smem:$0x3FB1] =	sst s0;
	s0 =	simm.s32 @!p2 $0x0  }
0x16: {  	s3 =	sld [smem:$0x3FDB];
	s0 =	simm.s32 @p2 $0x1  }
0x17: {  	s4 =	simm.s32 $0x1BF5;
	[smem:$0x3FB3] =	sst s0  }
0x18: {  	s0 =	sld [smem:$0x3F96];
	_ =	swait.ge [sflag:s4], $0x0  }
0x19: {  	s7 =	sld [smem:$0x3F97]  }
0x1a: {  	s8 =	sadd.s32 $0xFFFFE003, lr  }
0x1b: {  	s9 =	sadd.s32 $0xFFFFFEF7, lr;
	s5 =	simm.s32 $0xFFFFFFFF;
	p2 =	slt.u32 s8, $0xFFFFF086  }
0x1c: {  	p1 =	slt.u32 s9, $0xF7A;
	s5 =	simm.s32 @!p2 $0x0  }
0x1d: {  	s5 =	simm.s32 @p1 $0x1;
	p0 =	seq.s32 s7, s2  }
0x1e: {  	s7 =	smul.u32 @!p0 $0xF7A, s2;
	p2 =	seq.s32 @!p0 s5, $0x0  }
0x1f: {  	s9 =	smul.u32 $0xF7A, s1;
	s8 =	simm.s32 @!p0 $0x1BF5;
	p2 =	por !p2, p0  }
0x20: {  	[sflag:s8] =	ssyncset.s32 @!p0 $0xFFFFF086;
	s6 =	sadd.s32 @!p0 s3, s7;
	s7 =	simm.s32 @!p0 $0x108  }
0x21: {  	s3 =	sadd.s32 s3, s9;
	s6 =	sadd.s32 @!p0 $0x88, s6;
	s7 =	simm.s32 @p2 $0x1082  }
0x22: {  	[simem:s7], [sflag:s8] =	dma.local @!p0 [hbm:s6], $0xF7A  }
0x23: {  	s9 =	sor.u32 $0xD0000000, s2;
	s6 =	simm.s32 $0x108;
	_ =	swait.ge @!p0 [sflag:s8], $0x0  }
0x24: {  	s3 =	sadd.s32 $0x88, s3;
	s6 =	simm.s32 @!p1 $0x1082;
	[sflag:s4] =	ssyncset.s32 $0xFFFFF086  }
0x25: {  	[simem:s6], [sflag:s4] =	dma.local [hbm:s3], $0xF7A  }
0x26: {  	[smem:$0x3F97] =	sst s1;
	(tag) =	ssettag s2;
	_ =	strace s9  }
0x27: {  	s1 =	sld [smem:$0x3FA7]  }
0x28: {  	s2 =	sld [smem:$0x3FA8]  }
0x29: {  	s4 =	sld [smem:$0x3FAA]  }
0x2a: {  	p0 =	seq.s32 s5, $0x0;
	s5 =	sld [smem:$0x3FAB]  }
0x2b: {  	s6 =	sld [smem:$0x3FAC]  }
0x2c: {  	s7 =	sld [smem:$0x3FAD]  }
0x2d: {  	s3 =	simm.s32 $0x108;
	s8 =	sld [smem:$0x3FAE]  }
0x2e: {  	s3 =	simm.s32 @!p0 $0x1082;
	s9 =	sld [smem:$0x3FAF]  }
0x2f: {  	lr =	sadd.s32 s0, s3;
	s0 =	sld [smem:$0x3FA6]  }
0x30: {  	s3 =	sld [smem:$0x3FA9]  }
0x31: {  	[smem:$0x3FB2] =	sst s10  }
0x32: {  	s10 =	sld [smem:$0x3FB0];
	_ =	sdelay $0x3  }
0x33: {  	p0 =	seq.s32 s10, $0x1;
	s10 =	sld [smem:$0x3FB2];
	_ =	sdelay $0x3  }
0x34: {  	[smem:$0x3FB2] =	sst s10  }
0x35: {  	s10 =	sld [smem:$0x3FB1];
	_ =	sdelay $0x3  }
0x36: {  	p1 =	seq.s32 s10, $0x1;
	s10 =	sld [smem:$0x3FB2];
	_ =	sdelay $0x3  }
0x37: {  	[smem:$0x3FB2] =	sst s10  }
0x38: {  	s10 =	sld [smem:$0x3FB3]  }
0x39: {  	_ = 	snop;
	(pc) =	sbr.ind lr, $3  }
0x3a: {  	_ = 	snop  }
0x3b: {  	_ = 	snop  }
0x3c: {  	p2 =	seq.s32 s10, $0x1;
	s10 =	sld [smem:$0x3FB2]  }
0x3d: {  	_ =	shalt  }
0x3e: {  	_ =	shalt  }
0x3f: {  	_ =	shalt  }
0x40: {  	_ =	shalt  }
0x41: {  	_ =	shalt  }
0x42: {  	_ =	shalt  }
0x43: {  	_ =	shalt  }
0x44: {  	_ =	shalt  }
0x45: {  	_ =	shalt  }
0x46: {  	_ =	shalt  }
0x47: {  	_ =	shalt  }
0x48: {  	_ =	shalt  }
0x49: {  	_ =	shalt  }
0x4a: {  	_ =	shalt  }
0x4b: {  	_ =	shalt  }
0x4c: {  	_ =	shalt  }
0x4d: {  	_ =	shalt  }
0x4e: {  	_ =	shalt  }
0x4f: {  	_ =	shalt  }
0x50: {  	_ =	shalt  }
0x51: {  	_ =	shalt  }
0x52: {  	_ =	shalt  }
0x53: {  	_ =	shalt  }
0x54: {  	_ =	shalt  }
0x55: {  	_ =	shalt  }
0x56: {  	_ =	shalt  }
0x57: {  	_ =	shalt  }
0x58: {  	_ =	shalt  }
0x59: {  	_ =	shalt  }
0x5a: {  	_ =	shalt  }
0x5b: {  	_ =	shalt  }
0x5c: {  	_ =	shalt  }
0x5d: {  	_ =	shalt  }
0x5e: {  	_ =	shalt  }
0x5f: {  	_ =	shalt  }
0x60: {  	_ =	shalt  }
0x61: {  	_ =	shalt  }
0x62: {  	_ =	shalt  }
0x63: {  	_ =	shalt  }
0x64: {  	_ =	shalt  }
0x65: {  	_ =	shalt  }
0x66: {  	_ =	shalt  }
0x67: {  	_ =	shalt  }
0x68: {  	_ =	shalt  }
0x69: {  	_ =	shalt  }
0x6a: {  	_ =	shalt  }
0x6b: {  	_ =	shalt  }
0x6c: {  	_ =	shalt  }
0x6d: {  	_ =	shalt  }
0x6e: {  	_ =	shalt  }
0x6f: {  	_ =	shalt  }
0x70: {  	_ =	shalt  }
0x71: {  	_ =	shalt  }
0x72: {  	_ =	shalt  }
0x73: {  	_ =	shalt  }
0x74: {  	_ =	shalt  }
0x75: {  	_ =	shalt  }
0x76: {  	_ =	shalt  }
0x77: {  	_ =	shalt  }
0x78: {  	_ =	shalt  }
0x79: {  	_ =	shalt  }
0x7a: {  	_ =	shalt  }
0x7b: {  	_ =	shalt  }
0x7c: {  	_ =	shalt  }
0x7d: {  	_ =	shalt  }
0x7e: {  	_ =	shalt  }
0x7f: {  	_ =	shalt  }
0x80: {  	_ =	shalt  }
0x81: {  	_ =	shalt  }
0x82: {  	_ =	shalt  }
0x83: {  	_ =	shalt  }
0x84: {  	_ =	shalt  }
0x85: {  	_ =	shalt  }
0x86: {  	_ =	shalt  }
0x87: {  	_ =	shalt  }
.Lfunc_end0:
.L_simem_size_0:
called_computation_lowered:
.L_overlay_start_0:
0x88: {  	s2 =	sld [smem:$0x3FD9]  }
0x89: {  	s3 =	sld [smem:$0x3FFE];
	_ =	sdelay $0x1  }
0x8a: {  	s1 =	srdreg.scid  }
0x8b: {  	s0 =	sand.u32 $0x1, s1  }
0x8c: {  	s17 =	sshll.u32 s0, $0xA;
	s2 =	sadd.s32 s3, s2  }
0x8d: {  	s2 =	sadd.s32 s2, s17  }
0x8e: {  	[smem:$0x3FBE] =	sst s2  }
0x8f: {  	_ = 	snop  }
0x90: {  	s2 =	sld [smem:$0x3FD0];
	(tm) =	ssettm $0x1  }
0x91: {  	s18 =	sld [smem:$0x3FFB];
	_ =	sdelay $0x3  }
0x92: {  	_ =	strace s18  }
0x93: {  	s3 =	sld [smem:$0x3FFC];
	_ =	sdelay $0x3  }
0x94: {  	_ =	strace s3  }
0x95: {  	s3 =	sld [smem:$0x3FFD];
	_ =	sdelay $0x3  }
0x96: {  	_ =	strace s3  }
0x97: {  	_ =	strace $0x8FFFFFFF  }
0x98: {  	s19 =	sld [smem:$0x3FDB];
	_ =	sdelay $0x1  }
0x99: {  	s4 =	simm.s32 $_scs_section_size  }
0x9a: {  	s5 =	simm.s32 $_size__tile_overlayer_lowered;
	s6 =	simm.s32 $_tile_overlayer_lowered  }
0x9b: {  	s22 =	simm.s32 $0x1BFF;
	s21 =	sshll.u32 s6, $0x1;
	s3 =	sadd.s32 s4, s19  }
0x9c: {  	s7 =	simm.s32 $0x0;
	s20 =	sshll.u32 s5, $0x1;
	s5 =	sadd.s32 s21, s3  }
0x9d: {  	[timem:s7], [sflag:s22] =	dma.local [hbm:s5], s20  }
0x9e: {  	_ =	swait.ge [sflag:s22], s20  }
0x9f: {  	s4 =	ssub.s32 $0x0, s20;
	[sflag:s22] =	ssyncset.done $0x0  }
0xa0: {  	[sflag:s22] =	ssyncadd.s32 s4;
	_ =	sdelay $0x1  }
0xa1: {  	s23 =	simm.s32 $0x1B8B  }
0xa2: {  	_ =	swait.ge [sflag:s23], $0x1  }
0xa3: {  	[sflag:s23] =	ssyncset.done $0x0  }
0xa4: {  	s25 =	simm.s32 $0x1B8E;
	s24 =	sld [smem:$0x3FFE];
	[sflag:s23] =	ssyncadd.s32 $0xFFFFFFFF  }
0xa5: {  	s26 =	simm.s32 $execute0_lowered;
	[smem:$0x3FD2] =	sst s25  }
0xa6: {  	s5 =	sshll.u32 s26, $0x1;
	_ =	strace $0x80000046;
	[dreg:$0x1] =	wrdreg $0xFFFFFFFF  }
0xa7: {  	s28 =	simm.s32 $_size_execute0_lowered;
	s3 =	sadd.s32 s3, s5;
	[dreg:$0x0] =	wrdreg $0x0  }
0xa8: {  	s5 =	sshll.u32 s28, $0x1;
	[dreg:$0x2] =	wrdreg s3  }
0xa9: {  	[dreg:$0x3] =	wrdreg s5  }
0xaa: {  	[dreg:$0x4] =	wrdreg $0xC0  }
0xab: {  	_ =	task [dreg:s7], $0x5FFFF  }
0xac: {  	[dreg:$0x1] =	wrdreg $0xFFFFFFFF  }
0xad: {  	[dreg:$0x0] =	wrdreg $0x60  }
0xae: {  	[dreg:$0x2] =	wrdreg s24  }
0xaf: {  	[dreg:$0x3] =	wrdreg s2  }
0xb0: {  	[dreg:$0x4] =	wrdreg $0xA8800  }
0xb1: {  	[dreg:$0x5] =	wrdreg $0x1E8800  }
0xb2: {  	[dreg:$0x6] =	wrdreg $0x9  }
0xb3: {  	_ =	task.clear_ibuf [dreg:s7], $0x7FFFF;
	_ =	strace $0x90000046  }
0xb4: {  	s29 =	simm.s32 $0x9;
	_ =	strace $0x80000048  }
0xb5: {  	_ =	swait.ge [sflag:s29], $0x1  }
0xb6: {  	[sflag:s29] =	ssyncadd.s32 $0xFFFFFFFF  }
0xb7: {  	_ =	strace $0x90000048  }
0xb8: {  	_ =	sfence  }
0xb9: {  	s30 =	sld [smem:$0x0];
	_ =	sdelay $0x2  }
0xba: {  	s31 =	sshll.u32 s1, $0xD;
	s1 =	sshrl.u32 s1, $0x2  }
0xbb: {  	s3 =	sand.u32 $0x4000, s31;
	s1 =	sadd.s32 s1, s30  }
0xbc: {  	s0 =	sor.u32 s3, s0;
	s1 =	sshll.u32 s1, $0x11  }
0xbd: {  	s0 =	sor.u32 s1, s0  }
0xbe: {  	s0 =	sadd.s32 $0x8F2B, s0  }
0xbf: {  	[sflag:s0] =	ssyncadd.remote.s32 $0x1  }
0xc0: {  	_ =	sfence.sel $0xFFFF  }
0xc1: {  	[dreg:$0x0] =	wrdreg $0xFFFFFFFF;
	(pc) =	sbr.abs _section_cstart, $3  }
0xc2: {  	[dreg:$0x1] =	wrdreg $0xFFFFFFFF  }
0xc3: {  	_ =	task.clear_ibuf [dreg:s7], $0x2FFFF;
	_ =	strace $0x9FFFFFFF  }
0xc4: {  	(tm) =	ssettm $0x7FFFFFFF  }
0xc5: {  	_ =	shalt  }
tec
execute0_lowered:
.L_overlay_start_1:
0x0: {  	(tag) =	ssettag $0x1  }
0x1: {  	s0 =	rddreg [dreg:$0x0]  }
0x2: {  	s1 =	rddreg [dreg:$0x1]  }
0x3: {  	s2 =	rddreg [dreg:$0x2]  }
0x4: {  	s4 =	srdreg.scid;
	s16 =	stileid.u32  }
0x5: {  	s3 =	rddreg [dreg:$0x3];
	s17 =	simm.s32 $0x1400;
	s18 =	simm.s32 $0x80  }
0x6: {  	s28 =	simm.s32 $0x4;
	s29 =	simm.s32 $0x6;
	s30 =	simm.s32 $0x2700  }
0x7: {  	s31 =	simm.s32 $0x2780;
	s6 =	sand.u32 $0x1, s4;
	s22 =	smul.u32 $0x2800, s16  }
0x8: {  	s5 =	sshll.u32 s16, $0x1;
	s4 =	simm.s32 $0x0;
	s20 =	smul.u32 $0x50000, s16  }
0x9: {  	s9 =	sadd.s32 $0x66000, s0;
	s13 =	smul.u32 $0x280, s16;
	s24 =	sshll.u32 s16, $0x6  }
0xa: {  	s5 =	sor.u32 s6, s5;
	[smem:$0x7FF] =	sst s4;
	s19 =	smul.u32 $0x28000, s6  }
0xb: {  	s21 =	sshll.u32 s6, $0x4;
	s6 =	ssub.s32 $0x2, s6;
	s7 =	smul.u32 $0x500, s5  }
0xc: {  	_ =	strace $0x80000047;
	s5 =	sadd.s32 $0x2000, s0;
	s8 =	sadd.s32 s22, s0  }
0xd: {  	[dreg:$0x5] =	wrdreg s9;
	s10 =	sshrl.u32 s6, $0x1;
	s9 =	sshrl.u32 s20, $0x2  }
0xe: {  	s25 =	sshrl.u32 s13, $0x3;
	s15 =	sadd.s32 s13, s3;
	s20 =	simm.s32 $0x6800  }
0xf: {  	s12 =	sadd.s32 s19, s0;
	s6 =	ssub.s32 s6, s10;
	s14 =	sadd.s32 s9, s2  }
0x10: {  	s23 =	sadd.s32 $0x3E000, s8;
	s8 =	sor.u32 $0x1C07, s24;
	s9 =	sadd.s32 s1, s25  }
0x11: {  	s24 =	smul.u32 $0xA0, s16;
	s15 =	sshrl.u32 s15, $0x3;
	s16 =	simm.s32 $0xA800  }
0x12: {  	s19 =	simm.s32 $0x2800;
	s25 =	simm.s32 $0x5;
	s1 =	simm.s32 $0x0  }
0x13: {  	s11 =	sadd.s32 s7, s0;
	s0 =	sadd.s32 s21, s0;
	[dreg:$0x6] =	wrdreg s23  }
0x14: {  	s26 =	sadd.s32 $0x66C00, s12;
	s12 =	smax.u32 s6, $0x1;
	s13 =	sshrl.u32 s14, $0x3  }
0x15: {  	s14 =	simm.s32 $0x7;
	s21 =	simm.s32 $0x1;
	s23 =	simm.s32 $0x3  }
0x16: {  	s10 =	sadd.s32 $0x34000, s11;
	s11 =	sadd.s32 $0x2A000, s11;
	s0 =	sadd.s32 $0x66200, s0  }
0x17: {  	s22 =	sadd.s32 s22, s26;
	s26 =	simm.s32 $0x2;
	s24 =	sadd.s32 s24, s0  }
.LBB2_1:
0x18: {  	s0 =	rddreg [dreg:$0x6]  }
0x19: {  	[spmem:s13], [sflag:s8] =	dma.local [hbm:s0], $0x2800  }
0x1a: {  	_ =	swait.ge [sflag:s14], $0x2800  }
0x1b: {  	[sflag:s14] =	ssyncset.done $0x0  }
0x1c: {  	[sflag:s14] =	ssyncadd.s32 $0xFFFFD800  }
0x1d: {  	[spmem:s15], [sflag:s8] =	dma.local [hbm:s9], $0x50  }
0x1e: {  	_ =	swait.ge [sflag:s14], $0x50  }
0x1f: {  	[sflag:s14] =	ssyncset.done $0x0  }
0x20: {  	s6 =	rddreg [dreg:$0x5];
	[sflag:s14] =	ssyncadd.s32 $0xFFFFFFB0  }
0x21: {  	[tilespmem:s16], [sflag:$0x7] =	stream.linear.gather [hbm4b:s6+s4], $0x80, $0x38;
	[tilespmem:$0x1EB00] =	vst v63  }
0x22: {  	_ =	swait.ge [sflag:s14], $0x80  }
0x23: {  	[sflag:s14] =	ssyncset.done $0x0  }
0x24: {  	[sflag:s14] =	ssyncadd.s32 $0xFFFFFF80  }
0x25: {  	[bflag:$0x0] =	sbarrier.arrive $0xFFFF  }
0x26: {  	[tilespmem:s4], [sflag:$0x7] =	stream.linear.gather [hbm4b:s10+s4], $0x1400, $0x38;
	[tilespmem:$0x1EB00] =	vst v63  }
0x27: {  	_ =	swait.ge [sflag:s14], $0x1400  }
0x28: {  	[sflag:s14] =	ssyncset.done $0x0  }
0x29: {  	[sflag:s14] =	ssyncadd.s32 $0xFFFFEC00  }
0x2a: {  	[tilespmem:s17], [sflag:$0x7] =	stream.linear.gather [hbm4b:s11+s4], $0x1400, $0x38;
	[tilespmem:$0x1EB00] =	vst v63  }
0x2b: {  	_ =	swait.ge [sflag:s14], $0x1400  }
0x2c: {  	[sflag:s14] =	ssyncset.done $0x0  }
0x2d: {  	[sflag:s14] =	ssyncadd.s32 $0xFFFFEC00  }
0x2e: {  	[tilespmem:s19], [sflag:$0x1] =	stream.indirect.gather [hbm4b:s5+s18], $0x80, s4, s18, $0xb8;
	[tilespmem:$0x1EB00] =	vst v63  }
0x2f: {  	_ = 	snop  }
0x30: {  	[tilespmem:s20], [sflag:$0x2] =	stream.indirect.gather [hbm4b:s5+s18], $0x80, s18, s18, $0xb8;
	[tilespmem:$0x1EB00] =	vst v63  }
0x31: {  	_ =	swait.ge [sflag:s21], $0x4000  }
0x32: {  	[sflag:s21] =	ssyncset.done $0x0  }
0x33: {  	s7 =	simm.s32 $0x1400;
	[sflag:s21] =	ssyncadd.s32 $0xFFFFC000  }
0x34: {  	[spmem:s2] =	stream.indirect.scatter.add.f32 [tilespmem:s19], [sflag:$0x3], $0x80, s7, s18, $0xb8;
	[tilespmem:$0x1EB00] =	vst v63  }
0x35: {  	_ = 	snop  }
0x36: {  	[spmem:s3] =	stream.indirect.scatter.add.f32 [tilespmem:s16], [sflag:$0x5], $0x1, s7, s18, $0xb8;
	[tilespmem:$0x1EB00] =	vst v63  }
0x37: {  	_ =	swait.ge [sflag:s23], $0x4000  }
0x38: {  	[sflag:s23] =	ssyncset.done $0x0  }
0x39: {  	[sflag:s23] =	ssyncadd.s32 $0xFFFFC000  }
0x3a: {  	_ =	swait.ge [sflag:s25], $0x80  }
0x3b: {  	[sflag:s25] =	ssyncset.done $0x0  }
0x3c: {  	s6 =	simm.s32 $0x100;
	[sflag:s25] =	ssyncadd.s32 $0xFFFFFF80  }
0x3d: {  	[tilespmem:s19], [sflag:$0x1] =	stream.indirect.gather [hbm4b:s5+s18], $0x80, s6, s18, $0xb8;
	[tilespmem:$0x1EB00] =	vst v63  }
0x3e: {  	_ =	swait.ge [sflag:s26], $0x4000  }
0x3f: {  	[sflag:s26] =	ssyncset.done $0x0  }
0x40: {  	s7 =	simm.s32 $0x1480;
	[sflag:s26] =	ssyncadd.s32 $0xFFFFC000  }
0x41: {  	[spmem:s2] =	stream.indirect.scatter.add.f32 [tilespmem:s20], [sflag:$0x4], $0x80, s7, s18, $0xb8;
	[tilespmem:$0x1EB00] =	vst v63  }
0x42: {  	_ = 	snop  }
0x43: {  	[spmem:s3] =	stream.indirect.scatter.add.f32 [tilespmem:s16], [sflag:$0x6], $0x1, s7, s18, $0xb8;
	[tilespmem:$0x1EB00] =	vst v63  }
0x44: {  	_ =	swait.ge [sflag:s28], $0x4000  }
0x45: {  	[sflag:s28] =	ssyncset.done $0x0  }
0x46: {  	[sflag:s28] =	ssyncadd.s32 $0xFFFFC000  }
0x47: {  	_ =	swait.ge [sflag:s29], $0x80  }
0x48: {  	[sflag:s29] =	ssyncset.done $0x0  }
0x49: {  	s0 =	simm.s32 $0x400;
	s6 =	simm.s32 $0x180;
	[sflag:s29] =	ssyncadd.s32 $0xFFFFFF80  }
.LBB2_2:
0x4a: {  	[tilespmem:s20], [sflag:$0x2] =	stream.indirect.gather [hbm4b:s5+s18], $0x80, s6, s18, $0xb8;
	[tilespmem:$0x1EB00] =	vst v63  }
0x4b: {  	s6 =	smov.u32 s0  }
0x4c: {  	p0 =	sne.s32 s0, $0x4800;
	s0 =	sadd.s32 $0x400, s0;
	_ =	swait.ge [sflag:s21], $0x4000  }
0x4d: {  	s6 =	sshra.s32 s6, $0x2;
	[sflag:s21] =	ssyncset.done $0x0  }
0x4e: {  	s7 =	sadd.s32 $0x1400, s6;
	[sflag:s21] =	ssyncadd.s32 $0xFFFFC000  }
0x4f: {  	[spmem:s2] =	stream.indirect.scatter.add.f32 [tilespmem:s19], [sflag:$0x3], $0x80, s7, s18, $0xb8;
	[tilespmem:$0x1EB00] =	vst v63  }
0x50: {  	_ = 	snop  }
0x51: {  	[spmem:s3] =	stream.indirect.scatter.add.f32 [tilespmem:s16], [sflag:$0x5], $0x1, s7, s18, $0xb8;
	[tilespmem:$0x1EB00] =	vst v63  }
0x52: {  	_ =	swait.ge [sflag:s23], $0x4000  }
0x53: {  	[sflag:s23] =	ssyncset.done $0x0  }
0x54: {  	[sflag:s23] =	ssyncadd.s32 $0xFFFFC000  }
0x55: {  	_ =	swait.ge [sflag:s25], $0x80  }
0x56: {  	[sflag:s25] =	ssyncset.done $0x0  }
0x57: {  	s7 =	sadd.s32 $0x100, s6;
	[sflag:s25] =	ssyncadd.s32 $0xFFFFFF80  }
0x58: {  	[tilespmem:s19], [sflag:$0x1] =	stream.indirect.gather [hbm4b:s5+s18], $0x80, s7, s18, $0xb8;
	[tilespmem:$0x1EB00] =	vst v63  }
0x59: {  	_ =	swait.ge [sflag:s26], $0x4000  }
0x5a: {  	[sflag:s26] =	ssyncset.done $0x0  }
0x5b: {  	s7 =	sadd.s32 $0x1480, s6;
	[sflag:s26] =	ssyncadd.s32 $0xFFFFC000  }
0x5c: {  	[spmem:s2] =	stream.indirect.scatter.add.f32 [tilespmem:s20], [sflag:$0x4], $0x80, s7, s18, $0xb8;
	[tilespmem:$0x1EB00] =	vst v63  }
0x5d: {  	_ = 	snop  }
0x5e: {  	[spmem:s3] =	stream.indirect.scatter.add.f32 [tilespmem:s16], [sflag:$0x6], $0x1, s7, s18, $0xb8;
	[tilespmem:$0x1EB00] =	vst v63  }
0x5f: {  	_ =	swait.ge [sflag:s28], $0x4000  }
.Ltmp0:
0x60: {  	[sflag:s28] =	ssyncset.done $0x0;
	(pc) =	sbr.rel @p0 .LBB2_2-.Ltmp0, $4  }
0x61: {  	[sflag:s28] =	ssyncadd.s32 $0xFFFFC000  }
0x62: {  	_ =	swait.ge [sflag:s29], $0x80  }
0x63: {  	[sflag:s29] =	ssyncset.done $0x0  }
0x64: {  	s6 =	sadd.s32 $0x180, s6;
	[sflag:s29] =	ssyncadd.s32 $0xFFFFFF80  }
0x65: {  	[tilespmem:s20], [sflag:$0x2] =	stream.indirect.gather [hbm4b:s5+s18], $0x80, s6, s18, $0xb8;
	[tilespmem:$0x1EB00] =	vst v63  }
0x66: {  	_ =	swait.ge [sflag:s21], $0x4000  }
0x67: {  	[sflag:s21] =	ssyncset.done $0x0  }
0x68: {  	[sflag:s21] =	ssyncadd.s32 $0xFFFFC000  }
0x69: {  	[spmem:s2] =	stream.indirect.scatter.add.f32 [tilespmem:s19], [sflag:$0x3], $0x80, s30, s18, $0xb8;
	[tilespmem:$0x1EB00] =	vst v63  }
0x6a: {  	_ = 	snop  }
0x6b: {  	[spmem:s3] =	stream.indirect.scatter.add.f32 [tilespmem:s16], [sflag:$0x5], $0x1, s30, s18, $0xb8;
	[tilespmem:$0x1EB00] =	vst v63  }
0x6c: {  	_ =	swait.ge [sflag:s23], $0x4000  }
0x6d: {  	[sflag:s23] =	ssyncset.done $0x0  }
0x6e: {  	[sflag:s23] =	ssyncadd.s32 $0xFFFFC000  }
0x6f: {  	_ =	swait.ge [sflag:s25], $0x80  }
0x70: {  	[sflag:s25] =	ssyncset.done $0x0  }
0x71: {  	[sflag:s25] =	ssyncadd.s32 $0xFFFFFF80  }
0x72: {  	_ =	swait.ge [sflag:s26], $0x4000  }
0x73: {  	[sflag:s26] =	ssyncset.done $0x0  }
0x74: {  	[sflag:s26] =	ssyncadd.s32 $0xFFFFC000  }
0x75: {  	[spmem:s2] =	stream.indirect.scatter.add.f32 [tilespmem:s20], [sflag:$0x4], $0x80, s31, s18, $0xb8;
	[tilespmem:$0x1EB00] =	vst v63  }
0x76: {  	_ = 	snop  }
0x77: {  	[spmem:s3] =	stream.indirect.scatter.add.f32 [tilespmem:s16], [sflag:$0x6], $0x1, s31, s18, $0xb8;
	[tilespmem:$0x1EB00] =	vst v63  }
0x78: {  	_ =	swait.ge [sflag:s28], $0x4000  }
0x79: {  	[sflag:s28] =	ssyncset.done $0x0  }
0x7a: {  	[sflag:s28] =	ssyncadd.s32 $0xFFFFC000  }
0x7b: {  	_ =	swait.ge [sflag:s29], $0x80  }
0x7c: {  	[sflag:s29] =	ssyncset.done $0x0  }
0x7d: {  	s0 =	sadd.s32 $0x280, s10;
	s6 =	simm.s32 $0x0;
	[sflag:s29] =	ssyncadd.s32 $0xFFFFFF80  }
0x7e: {  	[tilespmem:s6], [sflag:$0x7] =	stream.linear.gather [hbm4b:s0+s6], $0x1400, $0x38;
	[tilespmem:$0x1EB00] =	vst v63  }
0x7f: {  	_ =	swait.ge [sflag:s14], $0x1400  }
0x80: {  	[sflag:s14] =	ssyncset.done $0x0  }
0x81: {  	s7 =	sadd.s32 $0x280, s11;
	[sflag:s14] =	ssyncadd.s32 $0xFFFFEC00  }
0x82: {  	[tilespmem:s17], [sflag:$0x7] =	stream.linear.gather [hbm4b:s7+s6], $0x1400, $0x38;
	[tilespmem:$0x1EB00] =	vst v63  }
0x83: {  	_ =	swait.ge [sflag:s14], $0x1400  }
0x84: {  	[sflag:s14] =	ssyncset.done $0x0  }
0x85: {  	[sflag:s14] =	ssyncadd.s32 $0xFFFFEC00  }
0x86: {  	[tilespmem:s19], [sflag:$0x1] =	stream.indirect.gather [hbm4b:s5+s18], $0x80, s6, s18, $0xb8;
	[tilespmem:$0x1EB00] =	vst v63  }
0x87: {  	_ = 	snop  }
0x88: {  	[tilespmem:s20], [sflag:$0x2] =	stream.indirect.gather [hbm4b:s5+s18], $0x80, s18, s18, $0xb8;
	[tilespmem:$0x1EB00] =	vst v63  }
0x89: {  	_ =	swait.ge [sflag:s21], $0x4000  }
0x8a: {  	[sflag:s21] =	ssyncset.done $0x0  }
0x8b: {  	s7 =	simm.s32 $0x1400;
	[sflag:s21] =	ssyncadd.s32 $0xFFFFC000  }
0x8c: {  	[spmem:s2] =	stream.indirect.scatter.add.f32 [tilespmem:s19], [sflag:$0x3], $0x80, s7, s18, $0xb8;
	[tilespmem:$0x1EB00] =	vst v63  }
0x8d: {  	_ = 	snop  }
0x8e: {  	[spmem:s3] =	stream.indirect.scatter.add.f32 [tilespmem:s16], [sflag:$0x5], $0x1, s7, s18, $0xb8;
	[tilespmem:$0x1EB00] =	vst v63  }
0x8f: {  	_ =	swait.ge [sflag:s23], $0x4000  }
0x90: {  	[sflag:s23] =	ssyncset.done $0x0  }
0x91: {  	[sflag:s23] =	ssyncadd.s32 $0xFFFFC000  }
0x92: {  	_ =	swait.ge [sflag:s25], $0x80  }
0x93: {  	[sflag:s25] =	ssyncset.done $0x0  }
0x94: {  	s6 =	simm.s32 $0x100;
	[sflag:s25] =	ssyncadd.s32 $0xFFFFFF80  }
0x95: {  	[tilespmem:s19], [sflag:$0x1] =	stream.indirect.gather [hbm4b:s5+s18], $0x80, s6, s18, $0xb8;
	[tilespmem:$0x1EB00] =	vst v63  }
0x96: {  	_ =	swait.ge [sflag:s26], $0x4000  }
0x97: {  	[sflag:s26] =	ssyncset.done $0x0  }
0x98: {  	s7 =	simm.s32 $0x1480;
	[sflag:s26] =	ssyncadd.s32 $0xFFFFC000  }
0x99: {  	[spmem:s2] =	stream.indirect.scatter.add.f32 [tilespmem:s20], [sflag:$0x4], $0x80, s7, s18, $0xb8;
	[tilespmem:$0x1EB00] =	vst v63  }
0x9a: {  	_ = 	snop  }
0x9b: {  	[spmem:s3] =	stream.indirect.scatter.add.f32 [tilespmem:s16], [sflag:$0x6], $0x1, s7, s18, $0xb8;
	[tilespmem:$0x1EB00] =	vst v63  }
0x9c: {  	_ =	swait.ge [sflag:s28], $0x4000  }
0x9d: {  	[sflag:s28] =	ssyncset.done $0x0  }
0x9e: {  	[sflag:s28] =	ssyncadd.s32 $0xFFFFC000  }
0x9f: {  	_ =	swait.ge [sflag:s29], $0x80  }
0xa0: {  	[sflag:s29] =	ssyncset.done $0x0  }
0xa1: {  	s0 =	simm.s32 $0x400;
	s6 =	simm.s32 $0x180;
	[sflag:s29] =	ssyncadd.s32 $0xFFFFFF80  }
.LBB2_4:
0xa2: {  	[tilespmem:s20], [sflag:$0x2] =	stream.indirect.gather [hbm4b:s5+s18], $0x80, s6, s18, $0xb8;
	[tilespmem:$0x1EB00] =	vst v63  }
0xa3: {  	s6 =	smov.u32 s0  }
0xa4: {  	p0 =	sne.s32 s0, $0x4800;
	s0 =	sadd.s32 $0x400, s0;
	_ =	swait.ge [sflag:s21], $0x4000  }
0xa5: {  	s6 =	sshra.s32 s6, $0x2;
	[sflag:s21] =	ssyncset.done $0x0  }
0xa6: {  	s7 =	sadd.s32 $0x1400, s6;
	[sflag:s21] =	ssyncadd.s32 $0xFFFFC000  }
0xa7: {  	[spmem:s2] =	stream.indirect.scatter.add.f32 [tilespmem:s19], [sflag:$0x3], $0x80, s7, s18, $0xb8;
	[tilespmem:$0x1EB00] =	vst v63  }
0xa8: {  	_ = 	snop  }
0xa9: {  	[spmem:s3] =	stream.indirect.scatter.add.f32 [tilespmem:s16], [sflag:$0x5], $0x1, s7, s18, $0xb8;
	[tilespmem:$0x1EB00] =	vst v63  }
0xaa: {  	_ =	swait.ge [sflag:s23], $0x4000  }
0xab: {  	[sflag:s23] =	ssyncset.done $0x0  }
0xac: {  	[sflag:s23] =	ssyncadd.s32 $0xFFFFC000  }
0xad: {  	_ =	swait.ge [sflag:s25], $0x80  }
0xae: {  	[sflag:s25] =	ssyncset.done $0x0  }
0xaf: {  	s7 =	sadd.s32 $0x100, s6;
	[sflag:s25] =	ssyncadd.s32 $0xFFFFFF80  }
0xb0: {  	[tilespmem:s19], [sflag:$0x1] =	stream.indirect.gather [hbm4b:s5+s18], $0x80, s7, s18, $0xb8;
	[tilespmem:$0x1EB00] =	vst v63  }
0xb1: {  	_ =	swait.ge [sflag:s26], $0x4000  }
0xb2: {  	[sflag:s26] =	ssyncset.done $0x0  }
0xb3: {  	s7 =	sadd.s32 $0x1480, s6;
	[sflag:s26] =	ssyncadd.s32 $0xFFFFC000  }
0xb4: {  	[spmem:s2] =	stream.indirect.scatter.add.f32 [tilespmem:s20], [sflag:$0x4], $0x80, s7, s18, $0xb8;
	[tilespmem:$0x1EB00] =	vst v63  }
0xb5: {  	_ = 	snop  }
0xb6: {  	[spmem:s3] =	stream.indirect.scatter.add.f32 [tilespmem:s16], [sflag:$0x6], $0x1, s7, s18, $0xb8;
	[tilespmem:$0x1EB00] =	vst v63  }
0xb7: {  	_ =	swait.ge [sflag:s28], $0x4000  }
.Ltmp1:
0xb8: {  	[sflag:s28] =	ssyncset.done $0x0;
	(pc) =	sbr.rel @p0 .LBB2_4-.Ltmp1, $4  }
0xb9: {  	[sflag:s28] =	ssyncadd.s32 $0xFFFFC000  }
0xba: {  	_ =	swait.ge [sflag:s29], $0x80  }
0xbb: {  	[sflag:s29] =	ssyncset.done $0x0  }
0xbc: {  	s6 =	sadd.s32 $0x180, s6;
	[sflag:s29] =	ssyncadd.s32 $0xFFFFFF80  }
0xbd: {  	[tilespmem:s20], [sflag:$0x2] =	stream.indirect.gather [hbm4b:s5+s18], $0x80, s6, s18, $0xb8;
	[tilespmem:$0x1EB00] =	vst v63  }
0xbe: {  	_ =	swait.ge [sflag:s21], $0x4000  }
0xbf: {  	[sflag:s21] =	ssyncset.done $0x0  }
0xc0: {  	[sflag:s21] =	ssyncadd.s32 $0xFFFFC000  }
0xc1: {  	[spmem:s2] =	stream.indirect.scatter.add.f32 [tilespmem:s19], [sflag:$0x3], $0x80, s30, s18, $0xb8;
	[tilespmem:$0x1EB00] =	vst v63  }
0xc2: {  	_ = 	snop  }
0xc3: {  	[spmem:s3] =	stream.indirect.scatter.add.f32 [tilespmem:s16], [sflag:$0x5], $0x1, s30, s18, $0xb8;
	[tilespmem:$0x1EB00] =	vst v63  }
0xc4: {  	_ =	swait.ge [sflag:s23], $0x4000  }
0xc5: {  	[sflag:s23] =	ssyncset.done $0x0  }
0xc6: {  	[sflag:s23] =	ssyncadd.s32 $0xFFFFC000  }
0xc7: {  	_ =	swait.ge [sflag:s25], $0x80  }
0xc8: {  	[sflag:s25] =	ssyncset.done $0x0  }
0xc9: {  	[sflag:s25] =	ssyncadd.s32 $0xFFFFFF80  }
0xca: {  	_ =	swait.ge [sflag:s26], $0x4000  }
0xcb: {  	[sflag:s26] =	ssyncset.done $0x0  }
0xcc: {  	[sflag:s26] =	ssyncadd.s32 $0xFFFFC000  }
0xcd: {  	[spmem:s2] =	stream.indirect.scatter.add.f32 [tilespmem:s20], [sflag:$0x4], $0x80, s31, s18, $0xb8;
	[tilespmem:$0x1EB00] =	vst v63  }
0xce: {  	_ = 	snop  }
0xcf: {  	[spmem:s3] =	stream.indirect.scatter.add.f32 [tilespmem:s16], [sflag:$0x6], $0x1, s31, s18, $0xb8;
	[tilespmem:$0x1EB00] =	vst v63  }
0xd0: {  	_ =	swait.ge [sflag:s28], $0x4000  }
0xd1: {  	[sflag:s28] =	ssyncset.done $0x0  }
0xd2: {  	[sflag:s28] =	ssyncadd.s32 $0xFFFFC000  }
0xd3: {  	_ =	swait.ge [sflag:s29], $0x80  }
0xd4: {  	[sflag:s29] =	ssyncset.done $0x0  }
0xd5: {  	[sflag:s29] =	ssyncadd.s32 $0xFFFFFF80  }
0xd6: {  	[bflag:$0x0] =	sbarrier.arrive $0xFFFF  }
0xd7: {  	[hbm:s22], [sflag:s8] =	dma.local [spmem:s13], $0x2800  }
0xd8: {  	s1 =	sadd.s32 $0x1, s1;
	_ =	swait.ge [sflag:s14], $0x2800  }
0xd9: {  	s0 =	simm.s32 $0x20;
	p0 =	sne.s32 s1, s12;
	[sflag:s14] =	ssyncset.done $0x0  }
.Ltmp2:
0xda: {  	s7 =	simm.s32 $0x10;
	[sflag:s14] =	ssyncadd.s32 $0xFFFFD800;
	(pc) =	sbr.rel @p0 .LBB2_1-.Ltmp2, $4  }
0xdb: {  	[hbm:s24@s0], [sflag:s8] =	dma.strided [spmem:s15@s7], $0x50, s21, $0x10   }
0xdc: {  	_ =	swait.ge [sflag:s14], $0x50  }
0xdd: {  	[sflag:s14] =	ssyncset.done $0x0  }
0xde: {  	[sflag:s14] =	ssyncadd.s32 $0xFFFFFFB0  }
0xdf: {  	_ =	sfence.sel $0x180000  }
0xe0: {  	[bflag:$0x0] =	sbarrier.arrive $0xFFFF  }
0xe1: {  	_ =	strace $0x90000047  }
0xe2: {  	s0 =	stileid.u32;
	[bflag:$0x2] =	sbarrier.arrive $0xFFFF  }
0xe3: {  	p0 =	sne.s32 s0, $0x0;
	s0 =	rddreg [dreg:$0x4]  }
0xe4: {  	s0 =	sadd.s32 @!p0 $0x100000, s0  }
0xe5: {  	[sflag:s0] =	ssyncadd.tile.s32 @!p0 $0x1;
	_ =	shalt  }
.Lfunc_end2:
_tile_overlayer_lowered:
.L_overlay_start_2:
0xe6: {  	(tag) =	ssettag $0x2  }
0xe7: {  	s0 =	rddreg [dreg:$0x0];
	s2 =	stileid.u32  }
0xe8: {  	s1 =	rddreg [dreg:$0x1];
	p0 =	sne.s32 s2, $0x0  }
0xe9: {  	s3 =	rddreg [dreg:$0x2];
	[bflag:$0x3] =	sbarrier.arrive $0xFFFF;
	s2 =	simm.s32 @!p0 $0x1C07  }
0xea: {  	[timem:s3], [sflag:s2] =	dma.local @!p0 [hbm:s0], s1  }
0xeb: {  	s0 =	simm.s32 @!p0 $0x7  }
0xec: {  	_ =	swait.ge @!p0 [sflag:s0], s1  }
0xed: {  	s1 =	ssub.s32 @!p0 $0x0, s1;
	[sflag:s0] =	ssyncset.done @!p0 $0x0  }
0xee: {  	[sflag:s0] =	ssyncadd.s32 @!p0 s1  }
0xef: {  	[bflag:$0x3] =	sbarrier.arrive $0xFFFF  }
0xf0: {  	_ =	shalt  }

</sc_bundles>
